<compile_context>
chip_gen: v7x
topology: tpu7x:2x2x1
jax: 0.10.2.dev20260603
libtpu: 0.0.44.dev20260713+nightly
codegen_flags: <defaults>
</compile_context>

<pallas_src>
import functools

import jax
import jax.numpy as jnp
from jax import lax
from jax.experimental import pallas as pl
from jax.experimental.pallas import tpu as pltpu
from jax.experimental.pallas import tpu_sc as plsc


def kernel(x, table):
    B, S, D = x.shape
    NW = 32
    rows_per_w = (B * S) // NW
    C = 16
    chunks = rows_per_w // C
    GRP = 2
    groups = chunks // GRP

    mesh = plsc.VectorSubcoreMesh(core_axis_name="c", subcore_axis_name="s")

    @functools.partial(
        pl.kernel, mesh=mesh,
        out_type=jax.ShapeDtypeStruct((B, S, D), jnp.float32),
        scratch_types=[
            pltpu.VMEM((GRP, C, D), jnp.float32),
            pltpu.VMEM((GRP, C, D), jnp.float32),
            pltpu.VMEM((GRP, C, D), jnp.float32),
            pltpu.VMEM_SHARED((4, 2 * GRP, C, D), jnp.float32),
            pltpu.SemaphoreType.DMA((GRP,)),
            pltpu.SemaphoreType.DMA((GRP,)),
            pltpu.SemaphoreType.DMA((GRP,)),
            pltpu.SemaphoreType.DMA((GRP,)),
        ],
    )
    def k(x_hbm, t_hbm, out_hbm, xb, tb, ob, tsh, sx, st, so, sl):
        cid = lax.axis_index("c")
        sid = lax.axis_index("s")
        bw = sid // 4
        slab = sid % 4
        row0 = (cid * 4 + slab) * rows_per_w

        def x_copy(j, g):
            r0 = row0 + g * C
            return pltpu.make_async_copy(
                x_hbm.at[bw, pl.ds(r0, C), :], xb.at[j], sx.at[j])

        def tload_copy(k_, g, half):
            r0 = row0 + g * C
            return pltpu.make_async_copy(
                t_hbm.at[pl.ds(r0, C), :], tsh.at[slab, half * GRP + k_],
                sl.at[k_])

        def tcons_copy(j, half):
            return pltpu.make_async_copy(
                tsh.at[slab, half * GRP + j], tb.at[j], st.at[j])

        def out_copy(j, g):
            r0 = row0 + g * C
            return pltpu.make_async_copy(
                ob.at[j], out_hbm.at[bw, pl.ds(r0, C), :], so.at[j])

        for j in range(GRP):
            x_copy(j, j).start()

        @pl.when(bw == 0)
        def _():
            for k_ in range(GRP):
                tload_copy(k_, k_, 0).start()

        def outer(G, _):
            half = G % 2
            is_loader = bw == (G % 4)
            is_next_loader = bw == ((G + 1) % 4)

            @pl.when(is_loader)
            def _():
                for k_ in range(GRP):
                    tload_copy(k_, G * GRP + k_, half).wait()

            plsc.subcore_barrier()

            @pl.when(is_next_loader & (G + 1 < groups))
            def _():
                for k_ in range(GRP):
                    tload_copy(k_, (G + 1) * GRP + k_, 1 - half).start()

            for j in range(GRP):
                tcons_copy(j, half).start()

            for j in range(GRP):
                g = G * GRP + j
                tcons_copy(j, half).wait()
                x_copy(j, g).wait()

                @pl.when(g >= GRP)
                def _():
                    out_copy(j, g - GRP).wait()

                vecs_per_row = D // 16

                @plsc.parallel_loop(0, C * vecs_per_row, unroll=8)
                def add_loop(i):
                    r = i // vecs_per_row
                    sl_ = pl.ds((i % vecs_per_row) * 16, 16)
                    ob[j, r, sl_] = xb[j, r, sl_] + tb[j, r, sl_]
                out_copy(j, g).start()

                @pl.when(g + GRP < chunks)
                def _():
                    x_copy(j, g + GRP).start()
            return 0

        lax.fori_loop(0, groups, outer, 0)
        for j in range(GRP):
            out_copy(j, chunks - GRP + j).wait()

    return k(x, table)

# --- scband reference (transcript-rebuilt; emitter-appended) ---
"""Pipeline reference for scband-learned-positional-embedding-62182536511594 (READ-ONLY COPY).

The authoritative reference and input builder live on the scoring server;
editing this copy changes nothing except your own understanding.
"""

import jax, jax.numpy as jnp
import numpy as np

MAX_SEQ_LEN = 8192
D_MODEL = 1024

def setup_inputs(seed: int = 0) -> dict:
    key = jax.random.key(seed)
    kx, kt = jax.random.split(key)
    x = jax.random.normal(kx, (4, 8192, 1024), dtype=jnp.float32)
    # nn.Embedding default init: N(0, 1)
    table = jax.random.normal(kt, (MAX_SEQ_LEN, D_MODEL), dtype=jnp.float32)
    return {"x": x, "table": table}

def reference(x, table):
    seq_len = x.shape[1]
    positions = jnp.arange(seq_len)[None, :]  # (1, seq)
    pos_emb = jnp.take(table, positions, axis=0)  # (1, seq, d_model)
    return x + pos_emb

if __name__ == "__main__":
    import jax
    _d = setup_inputs()
    print(jax.jit(kernel)(*tuple(_d.values())))

</pallas_src>

<mosaic_0001>
#map = affine_map<(d0, d1) -> (0, 0, 0)>
#map1 = affine_map<(d0, d1) -> (0, 0)>
module attributes {stable_mosaic.version = 14 : i64} {
  func.func @k(%arg0: i32, %arg1: i32, %arg2: memref<4x8192x1024xf32, #tpu.memory_space<hbm>>, %arg3: memref<8192x1024xf32, #tpu.memory_space<hbm>>, %arg4: memref<4x8192x1024xf32, #tpu.memory_space<hbm>>, %arg5: memref<2x16x1024xf32, #tpu.memory_space<vmem>>, %arg6: memref<2x16x1024xf32, #tpu.memory_space<vmem>>, %arg7: memref<2x16x1024xf32, #tpu.memory_space<vmem>>, %arg8: memref<4x4x16x1024xf32, #tpu.memory_space<vmem_shared>>, %arg9: memref<2x!tpu.dma_semaphore, #tpu.memory_space<semaphore_mem>>, %arg10: memref<2x!tpu.dma_semaphore, #tpu.memory_space<semaphore_mem>>, %arg11: memref<2x!tpu.dma_semaphore, #tpu.memory_space<semaphore_mem>>, %arg12: memref<2x!tpu.dma_semaphore, #tpu.memory_space<semaphore_mem>>) attributes {dimension_semantics = [#tpu.dimension_semantics<core_parallel>, #tpu.dimension_semantics<subcore_parallel>], iteration_bounds = array<i64: 2, 16>, scalar_prefetch = 0 : i64, scratch_operands = 8 : i64, tpu.core_type = #tpu.core_type<sc_vector_subcore>, window_params = [{transform_indices = #map}, {transform_indices = #map1}, {transform_indices = #map}]} {
    %jit3A = arith.constant 4 : i32
    %div3A = arith.divsi %arg1, %jit3A : i32
    %sign3A = arith.constant 0 : i32
    %sign3A_0 = arith.cmpi sgt, %arg1, %sign3A : i32
    %sign3A_1 = arith.extui %sign3A_0 : i1 to i32
    %sign3A_2 = arith.constant 0 : i32
    %sign3A_3 = arith.cmpi slt, %arg1, %sign3A_2 : i32
    %sign3A_4 = arith.extui %sign3A_3 : i1 to i32
    %sign3A_5 = arith.subi %sign3A_1, %sign3A_4 : i32
    %sign3A_6 = arith.constant 0 : i32
    %sign3A_7 = arith.cmpi sgt, %jit3A, %sign3A_6 : i32
    %sign3A_8 = arith.extui %sign3A_7 : i1 to i32
    %sign3A_9 = arith.constant 0 : i32
    %sign3A_10 = arith.cmpi slt, %jit3A, %sign3A_9 : i32
    %sign3A_11 = arith.extui %sign3A_10 : i1 to i32
    %sign3A_12 = arith.subi %sign3A_8, %sign3A_11 : i32
    %ne3A = arith.cmpi ne, %sign3A_5, %sign3A_12 : i32
    %rem3A = arith.remsi %arg1, %jit3A : i32
    %ne3A_13 = arith.constant 0 : i32
    %ne3A_14 = arith.cmpi ne, %rem3A, %ne3A_13 : i32
    %and3A = arith.andi %ne3A, %ne3A_14 : i1
    %sub3A = arith.constant 1 : i32
    %sub3A_15 = arith.subi %div3A, %sub3A : i32
    %select_n3A = arith.select %and3A, %sub3A_15, %div3A : i32
    %jit3A_16 = arith.constant 4 : i32
    %eq3A = arith.constant 0 : i32
    %eq3A_17 = arith.cmpi eq, %jit3A_16, %eq3A : i32
    %jit3A_18 = arith.constant 1 : i32
    %select_n3A_19 = arith.select %eq3A_17, %jit3A_18, %jit3A_16 : i32
    %rem3A_20 = arith.remsi %arg1, %select_n3A_19 : i32
    %ne3A_21 = arith.constant 0 : i32
    %ne3A_22 = arith.cmpi ne, %rem3A_20, %ne3A_21 : i32
    %lt3A = arith.constant 0 : i32
    %lt3A_23 = arith.cmpi slt, %rem3A_20, %lt3A : i32
    %lt3A_24 = arith.constant 0 : i32
    %lt3A_25 = arith.cmpi slt, %select_n3A_19, %lt3A_24 : i32
    %ne3A_26 = arith.xori %lt3A_23, %lt3A_25 : i1
    %and3A_27 = arith.andi %ne3A_26, %ne3A_22 : i1
    %add3A = arith.addi %rem3A_20, %select_n3A_19 : i32
    %select_n3A_28 = arith.select %and3A_27, %add3A, %rem3A_20 : i32
    %mul3A = arith.constant 4 : i32
    %mul3A_29 = arith.muli %arg0, %mul3A : i32
    %add3A_30 = arith.addi %mul3A_29, %select_n3A_28 : i32
    %mul3A_31 = arith.constant 1024 : i32
    %mul3A_32 = arith.muli %add3A_30, %mul3A_31 : i32
    %add3A_33 = arith.constant 0 : i32
    %add3A_34 = arith.addi %mul3A_32, %add3A_33 : i32
    %dma_start3A = arith.constant 0 : i32
    %dma_start3A_35 = arith.constant 0 : i32
    %dma_start3A_36 = arith.constant 0 : i32
    %dma_start3A_37 = arith.constant 0 : i32
    %dma_start3A_38 = tpu.memref_slice %arg5[%dma_start3A, %dma_start3A_36, %dma_start3A_37] : memref<2x16x1024xf32, #tpu.memory_space<vmem>> -> memref<1x16x1024xf32, #tpu.memory_space<vmem>>
    %dma_start3A_39 = tpu.memref_squeeze %dma_start3A_38 : memref<1x16x1024xf32, #tpu.memory_space<vmem>> -> memref<16x1024xf32, #tpu.memory_space<vmem>>
    %dma_start3A_40 = arith.constant 0 : i32
    %dma_start3A_41 = tpu.memref_slice %arg2[%select_n3A, %add3A_34, %dma_start3A_40] : memref<4x8192x1024xf32, #tpu.memory_space<hbm>> -> memref<1x16x1024xf32, #tpu.memory_space<hbm>>
    %dma_start3A_42 = tpu.memref_squeeze %dma_start3A_41 : memref<1x16x1024xf32, #tpu.memory_space<hbm>> -> memref<16x1024xf32, #tpu.memory_space<hbm>>
    %dma_start3A_43 = tpu.memref_slice %arg9[%dma_start3A_35] : memref<2x!tpu.dma_semaphore, #tpu.memory_space<semaphore_mem>> -> memref<1x!tpu.dma_semaphore, #tpu.memory_space<semaphore_mem>>
    %dma_start3A_44 = tpu.memref_squeeze %dma_start3A_43 : memref<1x!tpu.dma_semaphore, #tpu.memory_space<semaphore_mem>> -> memref<!tpu.dma_semaphore, #tpu.memory_space<semaphore_mem>>
    %dma_start3A_45 = arith.constant 0 : i32
    %dma_start3A_46 = arith.constant 0 : i32
    %dma_start3A_47 = tpu.memref_slice %arg5[%dma_start3A, %dma_start3A_45, %dma_start3A_46] : memref<2x16x1024xf32, #tpu.memory_space<vmem>> -> memref<1x16x1024xf32, #tpu.memory_space<vmem>>
    %dma_start3A_48 = tpu.memref_squeeze %dma_start3A_47 : memref<1x16x1024xf32, #tpu.memory_space<vmem>> -> memref<16x1024xf32, #tpu.memory_space<vmem>>
    %dma_start3A_49 = arith.constant 0 : i32
    %dma_start3A_50 = tpu.memref_slice %arg2[%select_n3A, %add3A_34, %dma_start3A_49] : memref<4x8192x1024xf32, #tpu.memory_space<hbm>> -> memref<1x16x1024xf32, #tpu.memory_space<hbm>>
    %dma_start3A_51 = tpu.memref_squeeze %dma_start3A_50 : memref<1x16x1024xf32, #tpu.memory_space<hbm>> -> memref<16x1024xf32, #tpu.memory_space<hbm>>
    tpu.enqueue_dma source(%dma_start3A_51 : memref<16x1024xf32, #tpu.memory_space<hbm>>) target(%dma_start3A_48 : memref<16x1024xf32, #tpu.memory_space<vmem>>) target_semaphore(%dma_start3A_44 : memref<!tpu.dma_semaphore, #tpu.memory_space<semaphore_mem>>)
    %add3A_52 = arith.constant 16 : i32
    %add3A_53 = arith.addi %mul3A_32, %add3A_52 : i32
    %dma_start3A_54 = arith.constant 1 : i32
    %dma_start3A_55 = arith.constant 1 : i32
    %dma_start3A_56 = arith.constant 0 : i32
    %dma_start3A_57 = arith.constant 0 : i32
    %dma_start3A_58 = tpu.memref_slice %arg5[%dma_start3A_54, %dma_start3A_56, %dma_start3A_57] : memref<2x16x1024xf32, #tpu.memory_space<vmem>> -> memref<1x16x1024xf32, #tpu.memory_space<vmem>>
    %dma_start3A_59 = tpu.memref_squeeze %dma_start3A_58 : memref<1x16x1024xf32, #tpu.memory_space<vmem>> -> memref<16x1024xf32, #tpu.memory_space<vmem>>
    %dma_start3A_60 = arith.constant 0 : i32
    %dma_start3A_61 = tpu.memref_slice %arg2[%select_n3A, %add3A_53, %dma_start3A_60] : memref<4x8192x1024xf32, #tpu.memory_space<hbm>> -> memref<1x16x1024xf32, #tpu.memory_space<hbm>>
    %dma_start3A_62 = tpu.memref_squeeze %dma_start3A_61 : memref<1x16x1024xf32, #tpu.memory_space<hbm>> -> memref<16x1024xf32, #tpu.memory_space<hbm>>
    %dma_start3A_63 = tpu.memref_slice %arg9[%dma_start3A_55] : memref<2x!tpu.dma_semaphore, #tpu.memory_space<semaphore_mem>> -> memref<1x!tpu.dma_semaphore, #tpu.memory_space<semaphore_mem>>
    %dma_start3A_64 = tpu.memref_squeeze %dma_start3A_63 : memref<1x!tpu.dma_semaphore, #tpu.memory_space<semaphore_mem>> -> memref<!tpu.dma_semaphore, #tpu.memory_space<semaphore_mem>>
    %dma_start3A_65 = arith.constant 0 : i32
    %dma_start3A_66 = arith.constant 0 : i32
    %dma_start3A_67 = tpu.memref_slice %arg5[%dma_start3A_54, %dma_start3A_65, %dma_start3A_66] : memref<2x16x1024xf32, #tpu.memory_space<vmem>> -> memref<1x16x1024xf32, #tpu.memory_space<vmem>>
    %dma_start3A_68 = tpu.memref_squeeze %dma_start3A_67 : memref<1x16x1024xf32, #tpu.memory_space<vmem>> -> memref<16x1024xf32, #tpu.memory_space<vmem>>
    %dma_start3A_69 = arith.constant 0 : i32
    %dma_start3A_70 = tpu.memref_slice %arg2[%select_n3A, %add3A_53, %dma_start3A_69] : memref<4x8192x1024xf32, #tpu.memory_space<hbm>> -> memref<1x16x1024xf32, #tpu.memory_space<hbm>>
    %dma_start3A_71 = tpu.memref_squeeze %dma_start3A_70 : memref<1x16x1024xf32, #tpu.memory_space<hbm>> -> memref<16x1024xf32, #tpu.memory_space<hbm>>
    tpu.enqueue_dma source(%dma_start3A_71 : memref<16x1024xf32, #tpu.memory_space<hbm>>) target(%dma_start3A_68 : memref<16x1024xf32, #tpu.memory_space<vmem>>) target_semaphore(%dma_start3A_64 : memref<!tpu.dma_semaphore, #tpu.memory_space<semaphore_mem>>)
    %eq3A_72 = arith.constant 0 : i32
    %eq3A_73 = arith.cmpi eq, %select_n3A, %eq3A_72 : i32
    %convert_element_type3A = arith.extui %eq3A_73 : i1 to i32
    %cond3A = arith.constant 0 : i32
    %cond3A_74 = arith.cmpi ne, %convert_element_type3A, %cond3A : i32
    scf.if %cond3A_74 {
      %add3A_120 = arith.constant 0 : i32
      %add3A_121 = arith.addi %mul3A_32, %add3A_120 : i32
      %dma_start3A_122 = arith.constant 0 : i32
      %dma_start3A_123 = arith.constant 0 : i32
      %dma_start3A_124 = tpu.memref_slice %arg12[%dma_start3A_123] : memref<2x!tpu.dma_semaphore, #tpu.memory_space<semaphore_mem>> -> memref<1x!tpu.dma_semaphore, #tpu.memory_space<semaphore_mem>>
      %dma_start3A_125 = tpu.memref_squeeze %dma_start3A_124 : memref<1x!tpu.dma_semaphore, #tpu.memory_space<semaphore_mem>> -> memref<!tpu.dma_semaphore, #tpu.memory_space<semaphore_mem>>
      %dma_start3A_126 = arith.constant 0 : i32
      %dma_start3A_127 = arith.constant 0 : i32
      %dma_start3A_128 = tpu.memref_slice %arg8[%select_n3A_28, %dma_start3A_122, %dma_start3A_126, %dma_start3A_127] : memref<4x4x16x1024xf32, #tpu.memory_space<vmem_shared>> -> memref<1x1x16x1024xf32, #tpu.memory_space<vmem_shared>>
      %dma_start3A_129 = tpu.memref_squeeze %dma_start3A_128 : memref<1x1x16x1024xf32, #tpu.memory_space<vmem_shared>> -> memref<16x1024xf32, #tpu.memory_space<vmem_shared>>
      %dma_start3A_130 = arith.constant 0 : i32
      %dma_start3A_131 = tpu.memref_slice %arg3[%add3A_121, %dma_start3A_130] : memref<8192x1024xf32, #tpu.memory_space<hbm>> -> memref<16x1024xf32, #tpu.memory_space<hbm>>
      tpu.enqueue_dma source(%dma_start3A_131 : memref<16x1024xf32, #tpu.memory_space<hbm>>) target(%dma_start3A_129 : memref<16x1024xf32, #tpu.memory_space<vmem_shared>>) target_semaphore(%dma_start3A_125 : memref<!tpu.dma_semaphore, #tpu.memory_space<semaphore_mem>>)
      %add3A_132 = arith.constant 16 : i32
      %add3A_133 = arith.addi %mul3A_32, %add3A_132 : i32
      %dma_start3A_134 = arith.constant 1 : i32
      %dma_start3A_135 = arith.constant 1 : i32
      %dma_start3A_136 = tpu.memref_slice %arg12[%dma_start3A_135] : memref<2x!tpu.dma_semaphore, #tpu.memory_space<semaphore_mem>> -> memref<1x!tpu.dma_semaphore, #tpu.memory_space<semaphore_mem>>
      %dma_start3A_137 = tpu.memref_squeeze %dma_start3A_136 : memref<1x!tpu.dma_semaphore, #tpu.memory_space<semaphore_mem>> -> memref<!tpu.dma_semaphore, #tpu.memory_space<semaphore_mem>>
      %dma_start3A_138 = arith.constant 0 : i32
      %dma_start3A_139 = arith.constant 0 : i32
      %dma_start3A_140 = tpu.memref_slice %arg8[%select_n3A_28, %dma_start3A_134, %dma_start3A_138, %dma_start3A_139] : memref<4x4x16x1024xf32, #tpu.memory_space<vmem_shared>> -> memref<1x1x16x1024xf32, #tpu.memory_space<vmem_shared>>
      %dma_start3A_141 = tpu.memref_squeeze %dma_start3A_140 : memref<1x1x16x1024xf32, #tpu.memory_space<vmem_shared>> -> memref<16x1024xf32, #tpu.memory_space<vmem_shared>>
      %dma_start3A_142 = arith.constant 0 : i32
      %dma_start3A_143 = tpu.memref_slice %arg3[%add3A_133, %dma_start3A_142] : memref<8192x1024xf32, #tpu.memory_space<hbm>> -> memref<16x1024xf32, #tpu.memory_space<hbm>>
      tpu.enqueue_dma source(%dma_start3A_143 : memref<16x1024xf32, #tpu.memory_space<hbm>>) target(%dma_start3A_141 : memref<16x1024xf32, #tpu.memory_space<vmem_shared>>) target_semaphore(%dma_start3A_137 : memref<!tpu.dma_semaphore, #tpu.memory_space<semaphore_mem>>)
    } else {
    }
    %scan3A = arith.constant 0 : i32
    %scan3A_75 = arith.constant 0 : i32
    %scan3A_76 = arith.constant 32 : i32
    %scan3A_77 = arith.addi %scan3A_75, %scan3A_76 : i32
    %scan3A_78 = arith.constant 1 : i32
    %scan3A_79 = scf.for %scan3A_120 = %scan3A_75 to %scan3A_77 step %scan3A_78 iter_args(%scan3A_121 = %scan3A) -> (i32)  : i32 {
      %jit3A_122 = arith.constant 2 : i32
      %eq3A_123 = arith.constant 0 : i32
      %eq3A_124 = arith.cmpi eq, %jit3A_122, %eq3A_123 : i32
      %jit3A_125 = arith.constant 1 : i32
      %select_n3A_126 = arith.select %eq3A_124, %jit3A_125, %jit3A_122 : i32
      %rem3A_127 = arith.remsi %scan3A_120, %select_n3A_126 : i32
      %ne3A_128 = arith.constant 0 : i32
      %ne3A_129 = arith.cmpi ne, %rem3A_127, %ne3A_128 : i32
      %lt3A_130 = arith.constant 0 : i32
      %lt3A_131 = arith.cmpi slt, %rem3A_127, %lt3A_130 : i32
      %lt3A_132 = arith.constant 0 : i32
      %lt3A_133 = arith.cmpi slt, %select_n3A_126, %lt3A_132 : i32
      %ne3A_134 = arith.xori %lt3A_131, %lt3A_133 : i1
      %and3A_135 = arith.andi %ne3A_134, %ne3A_129 : i1
      %add3A_136 = arith.addi %rem3A_127, %select_n3A_126 : i32
      %select_n3A_137 = arith.select %and3A_135, %add3A_136, %rem3A_127 : i32
      %jit3A_138 = arith.constant 4 : i32
      %eq3A_139 = arith.constant 0 : i32
      %eq3A_140 = arith.cmpi eq, %jit3A_138, %eq3A_139 : i32
      %jit3A_141 = arith.constant 1 : i32
      %select_n3A_142 = arith.select %eq3A_140, %jit3A_141, %jit3A_138 : i32
      %rem3A_143 = arith.remsi %scan3A_120, %select_n3A_142 : i32
      %ne3A_144 = arith.constant 0 : i32
      %ne3A_145 = arith.cmpi ne, %rem3A_143, %ne3A_144 : i32
      %lt3A_146 = arith.constant 0 : i32
      %lt3A_147 = arith.cmpi slt, %rem3A_143, %lt3A_146 : i32
      %lt3A_148 = arith.constant 0 : i32
      %lt3A_149 = arith.cmpi slt, %select_n3A_142, %lt3A_148 : i32
      %ne3A_150 = arith.xori %lt3A_147, %lt3A_149 : i1
      %and3A_151 = arith.andi %ne3A_150, %ne3A_145 : i1
      %add3A_152 = arith.addi %rem3A_143, %select_n3A_142 : i32
      %select_n3A_153 = arith.select %and3A_151, %add3A_152, %rem3A_143 : i32
      %eq3A_154 = arith.cmpi eq, %select_n3A, %select_n3A_153 : i32
      %add3A_155 = arith.constant 1 : i32
      %add3A_156 = arith.addi %scan3A_120, %add3A_155 : i32
      %jit3A_157 = arith.constant 4 : i32
      %eq3A_158 = arith.constant 0 : i32
      %eq3A_159 = arith.cmpi eq, %jit3A_157, %eq3A_158 : i32
      %jit3A_160 = arith.constant 1 : i32
      %select_n3A_161 = arith.select %eq3A_159, %jit3A_160, %jit3A_157 : i32
      %rem3A_162 = arith.remsi %add3A_156, %select_n3A_161 : i32
      %ne3A_163 = arith.constant 0 : i32
      %ne3A_164 = arith.cmpi ne, %rem3A_162, %ne3A_163 : i32
      %lt3A_165 = arith.constant 0 : i32
      %lt3A_166 = arith.cmpi slt, %rem3A_162, %lt3A_165 : i32
      %lt3A_167 = arith.constant 0 : i32
      %lt3A_168 = arith.cmpi slt, %select_n3A_161, %lt3A_167 : i32
      %ne3A_169 = arith.xori %lt3A_166, %lt3A_168 : i1
      %and3A_170 = arith.andi %ne3A_169, %ne3A_164 : i1
      %add3A_171 = arith.addi %rem3A_162, %select_n3A_161 : i32
      %select_n3A_172 = arith.select %and3A_170, %add3A_171, %rem3A_162 : i32
      %eq3A_173 = arith.cmpi eq, %select_n3A, %select_n3A_172 : i32
      %convert_element_type3A_174 = arith.extui %eq3A_154 : i1 to i32
      %cond3A_175 = arith.constant 0 : i32
      %cond3A_176 = arith.cmpi ne, %convert_element_type3A_174, %cond3A_175 : i32
      scf.if %cond3A_176 {
        %mul3A_402 = arith.constant 2 : i32
        %mul3A_403 = arith.muli %scan3A_120, %mul3A_402 : i32
        %add3A_404 = arith.constant 0 : i32
        %add3A_405 = arith.addi %mul3A_403, %add3A_404 : i32
        %mul3A_406 = arith.constant 16 : i32
        %mul3A_407 = arith.muli %add3A_405, %mul3A_406 : i32
        %add3A_408 = arith.addi %mul3A_32, %mul3A_407 : i32
        %mul3A_409 = arith.constant 2 : i32
        %mul3A_410 = arith.muli %select_n3A_137, %mul3A_409 : i32
        %add3A_411 = arith.constant 0 : i32
        %add3A_412 = arith.addi %mul3A_410, %add3A_411 : i32
        %dma_wait3A_413 = arith.constant 0 : i32
        %dma_wait3A_414 = tpu.memref_slice %arg12[%dma_wait3A_413] : memref<2x!tpu.dma_semaphore, #tpu.memory_space<semaphore_mem>> -> memref<1x!tpu.dma_semaphore, #tpu.memory_space<semaphore_mem>>
        %dma_wait3A_415 = tpu.memref_squeeze %dma_wait3A_414 : memref<1x!tpu.dma_semaphore, #tpu.memory_space<semaphore_mem>> -> memref<!tpu.dma_semaphore, #tpu.memory_space<semaphore_mem>>
        %dma_wait3A_416 = arith.constant 0 : i32
        %dma_wait3A_417 = arith.constant 0 : i32
        %dma_wait3A_418 = tpu.memref_slice %arg8[%select_n3A_28, %add3A_412, %dma_wait3A_416, %dma_wait3A_417] : memref<4x4x16x1024xf32, #tpu.memory_space<vmem_shared>> -> memref<1x1x16x1024xf32, #tpu.memory_space<vmem_shared>>
        %dma_wait3A_419 = tpu.memref_squeeze %dma_wait3A_418 : memref<1x1x16x1024xf32, #tpu.memory_space<vmem_shared>> -> memref<16x1024xf32, #tpu.memory_space<vmem_shared>>
        %dma_wait3A_420 = arith.constant 0 : i32
        %dma_wait3A_421 = tpu.memref_slice %arg3[%add3A_408, %dma_wait3A_420] : memref<8192x1024xf32, #tpu.memory_space<hbm>> -> memref<16x1024xf32, #tpu.memory_space<hbm>>
        tpu.wait_dma2 semaphore(%dma_wait3A_415 : memref<!tpu.dma_semaphore, #tpu.memory_space<semaphore_mem>>) src(%dma_wait3A_421 : memref<16x1024xf32, #tpu.memory_space<hbm>>) dst(%dma_wait3A_419 : memref<16x1024xf32, #tpu.memory_space<vmem_shared>>)
        %mul3A_422 = arith.constant 2 : i32
        %mul3A_423 = arith.muli %scan3A_120, %mul3A_422 : i32
        %add3A_424 = arith.constant 1 : i32
        %add3A_425 = arith.addi %mul3A_423, %add3A_424 : i32
        %mul3A_426 = arith.constant 16 : i32
        %mul3A_427 = arith.muli %add3A_425, %mul3A_426 : i32
        %add3A_428 = arith.addi %mul3A_32, %mul3A_427 : i32
        %mul3A_429 = arith.constant 2 : i32
        %mul3A_430 = arith.muli %select_n3A_137, %mul3A_429 : i32
        %add3A_431 = arith.constant 1 : i32
        %add3A_432 = arith.addi %mul3A_430, %add3A_431 : i32
        %dma_wait3A_433 = arith.constant 1 : i32
        %dma_wait3A_434 = tpu.memref_slice %arg12[%dma_wait3A_433] : memref<2x!tpu.dma_semaphore, #tpu.memory_space<semaphore_mem>> -> memref<1x!tpu.dma_semaphore, #tpu.memory_space<semaphore_mem>>
        %dma_wait3A_435 = tpu.memref_squeeze %dma_wait3A_434 : memref<1x!tpu.dma_semaphore, #tpu.memory_space<semaphore_mem>> -> memref<!tpu.dma_semaphore, #tpu.memory_space<semaphore_mem>>
        %dma_wait3A_436 = arith.constant 0 : i32
        %dma_wait3A_437 = arith.constant 0 : i32
        %dma_wait3A_438 = tpu.memref_slice %arg8[%select_n3A_28, %add3A_432, %dma_wait3A_436, %dma_wait3A_437] : memref<4x4x16x1024xf32, #tpu.memory_space<vmem_shared>> -> memref<1x1x16x1024xf32, #tpu.memory_space<vmem_shared>>
        %dma_wait3A_439 = tpu.memref_squeeze %dma_wait3A_438 : memref<1x1x16x1024xf32, #tpu.memory_space<vmem_shared>> -> memref<16x1024xf32, #tpu.memory_space<vmem_shared>>
        %dma_wait3A_440 = arith.constant 0 : i32
        %dma_wait3A_441 = tpu.memref_slice %arg3[%add3A_428, %dma_wait3A_440] : memref<8192x1024xf32, #tpu.memory_space<hbm>> -> memref<16x1024xf32, #tpu.memory_space<hbm>>
        tpu.wait_dma2 semaphore(%dma_wait3A_435 : memref<!tpu.dma_semaphore, #tpu.memory_space<semaphore_mem>>) src(%dma_wait3A_441 : memref<16x1024xf32, #tpu.memory_space<hbm>>) dst(%dma_wait3A_439 : memref<16x1024xf32, #tpu.memory_space<vmem_shared>>)
      } else {
      }
      %barrier3A = arith.constant 0 : index
      tpu.barrier barrier_id(%barrier3A)
      %add3A_177 = arith.constant 1 : i32
      %add3A_178 = arith.addi %scan3A_120, %add3A_177 : i32
      %lt3A_179 = arith.constant 32 : i32
      %lt3A_180 = arith.cmpi slt, %add3A_178, %lt3A_179 : i32
      %and3A_181 = arith.andi %eq3A_173, %lt3A_180 : i1
      %convert_element_type3A_182 = arith.extui %and3A_181 : i1 to i32
      %cond3A_183 = arith.constant 0 : i32
      %cond3A_184 = arith.cmpi ne, %convert_element_type3A_182, %cond3A_183 : i32
      scf.if %cond3A_184 {
        %add3A_402 = arith.constant 1 : i32
        %add3A_403 = arith.addi %scan3A_120, %add3A_402 : i32
        %mul3A_404 = arith.constant 2 : i32
        %mul3A_405 = arith.muli %add3A_403, %mul3A_404 : i32
        %add3A_406 = arith.constant 0 : i32
        %add3A_407 = arith.addi %mul3A_405, %add3A_406 : i32
        %sub3A_408 = arith.constant 1 : i32
        %sub3A_409 = arith.subi %sub3A_408, %select_n3A_137 : i32
        %mul3A_410 = arith.constant 16 : i32
        %mul3A_411 = arith.muli %add3A_407, %mul3A_410 : i32
        %add3A_412 = arith.addi %mul3A_32, %mul3A_411 : i32
        %mul3A_413 = arith.constant 2 : i32
        %mul3A_414 = arith.muli %sub3A_409, %mul3A_413 : i32
        %add3A_415 = arith.constant 0 : i32
        %add3A_416 = arith.addi %mul3A_414, %add3A_415 : i32
        %dma_start3A_417 = arith.constant 0 : i32
        %dma_start3A_418 = tpu.memref_slice %arg12[%dma_start3A_417] : memref<2x!tpu.dma_semaphore, #tpu.memory_space<semaphore_mem>> -> memref<1x!tpu.dma_semaphore, #tpu.memory_space<semaphore_mem>>
        %dma_start3A_419 = tpu.memref_squeeze %dma_start3A_418 : memref<1x!tpu.dma_semaphore, #tpu.memory_space<semaphore_mem>> -> memref<!tpu.dma_semaphore, #tpu.memory_space<semaphore_mem>>
        %dma_start3A_420 = arith.constant 0 : i32
        %dma_start3A_421 = arith.constant 0 : i32
        %dma_start3A_422 = tpu.memref_slice %arg8[%select_n3A_28, %add3A_416, %dma_start3A_420, %dma_start3A_421] : memref<4x4x16x1024xf32, #tpu.memory_space<vmem_shared>> -> memref<1x1x16x1024xf32, #tpu.memory_space<vmem_shared>>
        %dma_start3A_423 = tpu.memref_squeeze %dma_start3A_422 : memref<1x1x16x1024xf32, #tpu.memory_space<vmem_shared>> -> memref<16x1024xf32, #tpu.memory_space<vmem_shared>>
        %dma_start3A_424 = arith.constant 0 : i32
        %dma_start3A_425 = tpu.memref_slice %arg3[%add3A_412, %dma_start3A_424] : memref<8192x1024xf32, #tpu.memory_space<hbm>> -> memref<16x1024xf32, #tpu.memory_space<hbm>>
        tpu.enqueue_dma source(%dma_start3A_425 : memref<16x1024xf32, #tpu.memory_space<hbm>>) target(%dma_start3A_423 : memref<16x1024xf32, #tpu.memory_space<vmem_shared>>) target_semaphore(%dma_start3A_419 : memref<!tpu.dma_semaphore, #tpu.memory_space<semaphore_mem>>)
        %add3A_426 = arith.constant 1 : i32
        %add3A_427 = arith.addi %scan3A_120, %add3A_426 : i32
        %mul3A_428 = arith.constant 2 : i32
        %mul3A_429 = arith.muli %add3A_427, %mul3A_428 : i32
        %add3A_430 = arith.constant 1 : i32
        %add3A_431 = arith.addi %mul3A_429, %add3A_430 : i32
        %sub3A_432 = arith.constant 1 : i32
        %sub3A_433 = arith.subi %sub3A_432, %select_n3A_137 : i32
        %mul3A_434 = arith.constant 16 : i32
        %mul3A_435 = arith.muli %add3A_431, %mul3A_434 : i32
        %add3A_436 = arith.addi %mul3A_32, %mul3A_435 : i32
        %mul3A_437 = arith.constant 2 : i32
        %mul3A_438 = arith.muli %sub3A_433, %mul3A_437 : i32
        %add3A_439 = arith.constant 1 : i32
        %add3A_440 = arith.addi %mul3A_438, %add3A_439 : i32
        %dma_start3A_441 = arith.constant 1 : i32
        %dma_start3A_442 = tpu.memref_slice %arg12[%dma_start3A_441] : memref<2x!tpu.dma_semaphore, #tpu.memory_space<semaphore_mem>> -> memref<1x!tpu.dma_semaphore, #tpu.memory_space<semaphore_mem>>
        %dma_start3A_443 = tpu.memref_squeeze %dma_start3A_442 : memref<1x!tpu.dma_semaphore, #tpu.memory_space<semaphore_mem>> -> memref<!tpu.dma_semaphore, #tpu.memory_space<semaphore_mem>>
        %dma_start3A_444 = arith.constant 0 : i32
        %dma_start3A_445 = arith.constant 0 : i32
        %dma_start3A_446 = tpu.memref_slice %arg8[%select_n3A_28, %add3A_440, %dma_start3A_444, %dma_start3A_445] : memref<4x4x16x1024xf32, #tpu.memory_space<vmem_shared>> -> memref<1x1x16x1024xf32, #tpu.memory_space<vmem_shared>>
        %dma_start3A_447 = tpu.memref_squeeze %dma_start3A_446 : memref<1x1x16x1024xf32, #tpu.memory_space<vmem_shared>> -> memref<16x1024xf32, #tpu.memory_space<vmem_shared>>
        %dma_start3A_448 = arith.constant 0 : i32
        %dma_start3A_449 = tpu.memref_slice %arg3[%add3A_436, %dma_start3A_448] : memref<8192x1024xf32, #tpu.memory_space<hbm>> -> memref<16x1024xf32, #tpu.memory_space<hbm>>
        tpu.enqueue_dma source(%dma_start3A_449 : memref<16x1024xf32, #tpu.memory_space<hbm>>) target(%dma_start3A_447 : memref<16x1024xf32, #tpu.memory_space<vmem_shared>>) target_semaphore(%dma_start3A_443 : memref<!tpu.dma_semaphore, #tpu.memory_space<semaphore_mem>>)
      } else {
      }
      %mul3A_185 = arith.constant 2 : i32
      %mul3A_186 = arith.muli %select_n3A_137, %mul3A_185 : i32
      %add3A_187 = arith.constant 0 : i32
      %add3A_188 = arith.addi %mul3A_186, %add3A_187 : i32
      %dma_start3A_189 = arith.constant 0 : i32
      %dma_start3A_190 = arith.constant 0 : i32
      %dma_start3A_191 = arith.constant 0 : i32
      %dma_start3A_192 = arith.constant 0 : i32
      %dma_start3A_193 = tpu.memref_slice %arg6[%dma_start3A_189, %dma_start3A_191, %dma_start3A_192] : memref<2x16x1024xf32, #tpu.memory_space<vmem>> -> memref<1x16x1024xf32, #tpu.memory_space<vmem>>
      %dma_start3A_194 = tpu.memref_squeeze %dma_start3A_193 : memref<1x16x1024xf32, #tpu.memory_space<vmem>> -> memref<16x1024xf32, #tpu.memory_space<vmem>>
      %dma_start3A_195 = arith.constant 0 : i32
      %dma_start3A_196 = arith.constant 0 : i32
      %dma_start3A_197 = tpu.memref_slice %arg8[%select_n3A_28, %add3A_188, %dma_start3A_195, %dma_start3A_196] : memref<4x4x16x1024xf32, #tpu.memory_space<vmem_shared>> -> memref<1x1x16x1024xf32, #tpu.memory_space<vmem_shared>>
      %dma_start3A_198 = tpu.memref_squeeze %dma_start3A_197 : memref<1x1x16x1024xf32, #tpu.memory_space<vmem_shared>> -> memref<16x1024xf32, #tpu.memory_space<vmem_shared>>
      %dma_start3A_199 = tpu.memref_slice %arg10[%dma_start3A_190] : memref<2x!tpu.dma_semaphore, #tpu.memory_space<semaphore_mem>> -> memref<1x!tpu.dma_semaphore, #tpu.memory_space<semaphore_mem>>
      %dma_start3A_200 = tpu.memref_squeeze %dma_start3A_199 : memref<1x!tpu.dma_semaphore, #tpu.memory_space<semaphore_mem>> -> memref<!tpu.dma_semaphore, #tpu.memory_space<semaphore_mem>>
      %dma_start3A_201 = arith.constant 0 : i32
      %dma_start3A_202 = arith.constant 0 : i32
      %dma_start3A_203 = tpu.memref_slice %arg6[%dma_start3A_189, %dma_start3A_201, %dma_start3A_202] : memref<2x16x1024xf32, #tpu.memory_space<vmem>> -> memref<1x16x1024xf32, #tpu.memory_space<vmem>>
      %dma_start3A_204 = tpu.memref_squeeze %dma_start3A_203 : memref<1x16x1024xf32, #tpu.memory_space<vmem>> -> memref<16x1024xf32, #tpu.memory_space<vmem>>
      %dma_start3A_205 = arith.constant 0 : i32
      %dma_start3A_206 = arith.constant 0 : i32
      %dma_start3A_207 = tpu.memref_slice %arg8[%select_n3A_28, %add3A_188, %dma_start3A_205, %dma_start3A_206] : memref<4x4x16x1024xf32, #tpu.memory_space<vmem_shared>> -> memref<1x1x16x1024xf32, #tpu.memory_space<vmem_shared>>
      %dma_start3A_208 = tpu.memref_squeeze %dma_start3A_207 : memref<1x1x16x1024xf32, #tpu.memory_space<vmem_shared>> -> memref<16x1024xf32, #tpu.memory_space<vmem_shared>>
      tpu.enqueue_dma source(%dma_start3A_208 : memref<16x1024xf32, #tpu.memory_space<vmem_shared>>) target(%dma_start3A_204 : memref<16x1024xf32, #tpu.memory_space<vmem>>) target_semaphore(%dma_start3A_200 : memref<!tpu.dma_semaphore, #tpu.memory_space<semaphore_mem>>)
      %mul3A_209 = arith.constant 2 : i32
      %mul3A_210 = arith.muli %select_n3A_137, %mul3A_209 : i32
      %add3A_211 = arith.constant 1 : i32
      %add3A_212 = arith.addi %mul3A_210, %add3A_211 : i32
      %dma_start3A_213 = arith.constant 1 : i32
      %dma_start3A_214 = arith.constant 1 : i32
      %dma_start3A_215 = arith.constant 0 : i32
      %dma_start3A_216 = arith.constant 0 : i32
      %dma_start3A_217 = tpu.memref_slice %arg6[%dma_start3A_213, %dma_start3A_215, %dma_start3A_216] : memref<2x16x1024xf32, #tpu.memory_space<vmem>> -> memref<1x16x1024xf32, #tpu.memory_space<vmem>>
      %dma_start3A_218 = tpu.memref_squeeze %dma_start3A_217 : memref<1x16x1024xf32, #tpu.memory_space<vmem>> -> memref<16x1024xf32, #tpu.memory_space<vmem>>
      %dma_start3A_219 = arith.constant 0 : i32
      %dma_start3A_220 = arith.constant 0 : i32
      %dma_start3A_221 = tpu.memref_slice %arg8[%select_n3A_28, %add3A_212, %dma_start3A_219, %dma_start3A_220] : memref<4x4x16x1024xf32, #tpu.memory_space<vmem_shared>> -> memref<1x1x16x1024xf32, #tpu.memory_space<vmem_shared>>
      %dma_start3A_222 = tpu.memref_squeeze %dma_start3A_221 : memref<1x1x16x1024xf32, #tpu.memory_space<vmem_shared>> -> memref<16x1024xf32, #tpu.memory_space<vmem_shared>>
      %dma_start3A_223 = tpu.memref_slice %arg10[%dma_start3A_214] : memref<2x!tpu.dma_semaphore, #tpu.memory_space<semaphore_mem>> -> memref<1x!tpu.dma_semaphore, #tpu.memory_space<semaphore_mem>>
      %dma_start3A_224 = tpu.memref_squeeze %dma_start3A_223 : memref<1x!tpu.dma_semaphore, #tpu.memory_space<semaphore_mem>> -> memref<!tpu.dma_semaphore, #tpu.memory_space<semaphore_mem>>
      %dma_start3A_225 = arith.constant 0 : i32
      %dma_start3A_226 = arith.constant 0 : i32
      %dma_start3A_227 = tpu.memref_slice %arg6[%dma_start3A_213, %dma_start3A_225, %dma_start3A_226] : memref<2x16x1024xf32, #tpu.memory_space<vmem>> -> memref<1x16x1024xf32, #tpu.memory_space<vmem>>
      %dma_start3A_228 = tpu.memref_squeeze %dma_start3A_227 : memref<1x16x1024xf32, #tpu.memory_space<vmem>> -> memref<16x1024xf32, #tpu.memory_space<vmem>>
      %dma_start3A_229 = arith.constant 0 : i32
      %dma_start3A_230 = arith.constant 0 : i32
      %dma_start3A_231 = tpu.memref_slice %arg8[%select_n3A_28, %add3A_212, %dma_start3A_229, %dma_start3A_230] : memref<4x4x16x1024xf32, #tpu.memory_space<vmem_shared>> -> memref<1x1x16x1024xf32, #tpu.memory_space<vmem_shared>>
      %dma_start3A_232 = tpu.memref_squeeze %dma_start3A_231 : memref<1x1x16x1024xf32, #tpu.memory_space<vmem_shared>> -> memref<16x1024xf32, #tpu.memory_space<vmem_shared>>
      tpu.enqueue_dma source(%dma_start3A_232 : memref<16x1024xf32, #tpu.memory_space<vmem_shared>>) target(%dma_start3A_228 : memref<16x1024xf32, #tpu.memory_space<vmem>>) target_semaphore(%dma_start3A_224 : memref<!tpu.dma_semaphore, #tpu.memory_space<semaphore_mem>>)
      %mul3A_233 = arith.constant 2 : i32
      %mul3A_234 = arith.muli %scan3A_120, %mul3A_233 : i32
      %add3A_235 = arith.constant 0 : i32
      %add3A_236 = arith.addi %mul3A_234, %add3A_235 : i32
      %mul3A_237 = arith.constant 2 : i32
      %mul3A_238 = arith.muli %select_n3A_137, %mul3A_237 : i32
      %add3A_239 = arith.constant 0 : i32
      %add3A_240 = arith.addi %mul3A_238, %add3A_239 : i32
      %dma_wait3A_241 = arith.constant 0 : i32
      %dma_wait3A_242 = arith.constant 0 : i32
      %dma_wait3A_243 = arith.constant 0 : i32
      %dma_wait3A_244 = arith.constant 0 : i32
      %dma_wait3A_245 = tpu.memref_slice %arg6[%dma_wait3A_241, %dma_wait3A_243, %dma_wait3A_244] : memref<2x16x1024xf32, #tpu.memory_space<vmem>> -> memref<1x16x1024xf32, #tpu.memory_space<vmem>>
      %dma_wait3A_246 = tpu.memref_squeeze %dma_wait3A_245 : memref<1x16x1024xf32, #tpu.memory_space<vmem>> -> memref<16x1024xf32, #tpu.memory_space<vmem>>
      %dma_wait3A_247 = arith.constant 0 : i32
      %dma_wait3A_248 = arith.constant 0 : i32
      %dma_wait3A_249 = tpu.memref_slice %arg8[%select_n3A_28, %add3A_240, %dma_wait3A_247, %dma_wait3A_248] : memref<4x4x16x1024xf32, #tpu.memory_space<vmem_shared>> -> memref<1x1x16x1024xf32, #tpu.memory_space<vmem_shared>>
      %dma_wait3A_250 = tpu.memref_squeeze %dma_wait3A_249 : memref<1x1x16x1024xf32, #tpu.memory_space<vmem_shared>> -> memref<16x1024xf32, #tpu.memory_space<vmem_shared>>
      %dma_wait3A_251 = tpu.memref_slice %arg10[%dma_wait3A_242] : memref<2x!tpu.dma_semaphore, #tpu.memory_space<semaphore_mem>> -> memref<1x!tpu.dma_semaphore, #tpu.memory_space<semaphore_mem>>
      %dma_wait3A_252 = tpu.memref_squeeze %dma_wait3A_251 : memref<1x!tpu.dma_semaphore, #tpu.memory_space<semaphore_mem>> -> memref<!tpu.dma_semaphore, #tpu.memory_space<semaphore_mem>>
      %dma_wait3A_253 = arith.constant 0 : i32
      %dma_wait3A_254 = arith.constant 0 : i32
      %dma_wait3A_255 = tpu.memref_slice %arg6[%dma_wait3A_241, %dma_wait3A_253, %dma_wait3A_254] : memref<2x16x1024xf32, #tpu.memory_space<vmem>> -> memref<1x16x1024xf32, #tpu.memory_space<vmem>>
      %dma_wait3A_256 = tpu.memref_squeeze %dma_wait3A_255 : memref<1x16x1024xf32, #tpu.memory_space<vmem>> -> memref<16x1024xf32, #tpu.memory_space<vmem>>
      %dma_wait3A_257 = arith.constant 0 : i32
      %dma_wait3A_258 = arith.constant 0 : i32
      %dma_wait3A_259 = tpu.memref_slice %arg8[%select_n3A_28, %add3A_240, %dma_wait3A_257, %dma_wait3A_258] : memref<4x4x16x1024xf32, #tpu.memory_space<vmem_shared>> -> memref<1x1x16x1024xf32, #tpu.memory_space<vmem_shared>>
      %dma_wait3A_260 = tpu.memref_squeeze %dma_wait3A_259 : memref<1x1x16x1024xf32, #tpu.memory_space<vmem_shared>> -> memref<16x1024xf32, #tpu.memory_space<vmem_shared>>
      tpu.wait_dma2 semaphore(%dma_wait3A_252 : memref<!tpu.dma_semaphore, #tpu.memory_space<semaphore_mem>>) src(%dma_wait3A_260 : memref<16x1024xf32, #tpu.memory_space<vmem_shared>>) dst(%dma_wait3A_256 : memref<16x1024xf32, #tpu.memory_space<vmem>>)
      %mul3A_261 = arith.constant 16 : i32
      %mul3A_262 = arith.muli %add3A_236, %mul3A_261 : i32
      %add3A_263 = arith.addi %mul3A_32, %mul3A_262 : i32
      %dma_wait3A_264 = arith.constant 0 : i32
      %dma_wait3A_265 = arith.constant 0 : i32
      %dma_wait3A_266 = arith.constant 0 : i32
      %dma_wait3A_267 = arith.constant 0 : i32
      %dma_wait3A_268 = tpu.memref_slice %arg5[%dma_wait3A_264, %dma_wait3A_266, %dma_wait3A_267] : memref<2x16x1024xf32, #tpu.memory_space<vmem>> -> memref<1x16x1024xf32, #tpu.memory_space<vmem>>
      %dma_wait3A_269 = tpu.memref_squeeze %dma_wait3A_268 : memref<1x16x1024xf32, #tpu.memory_space<vmem>> -> memref<16x1024xf32, #tpu.memory_space<vmem>>
      %dma_wait3A_270 = arith.constant 0 : i32
      %dma_wait3A_271 = tpu.memref_slice %arg2[%select_n3A, %add3A_263, %dma_wait3A_270] : memref<4x8192x1024xf32, #tpu.memory_space<hbm>> -> memref<1x16x1024xf32, #tpu.memory_space<hbm>>
      %dma_wait3A_272 = tpu.memref_squeeze %dma_wait3A_271 : memref<1x16x1024xf32, #tpu.memory_space<hbm>> -> memref<16x1024xf32, #tpu.memory_space<hbm>>
      %dma_wait3A_273 = tpu.memref_slice %arg9[%dma_wait3A_265] : memref<2x!tpu.dma_semaphore, #tpu.memory_space<semaphore_mem>> -> memref<1x!tpu.dma_semaphore, #tpu.memory_space<semaphore_mem>>
      %dma_wait3A_274 = tpu.memref_squeeze %dma_wait3A_273 : memref<1x!tpu.dma_semaphore, #tpu.memory_space<semaphore_mem>> -> memref<!tpu.dma_semaphore, #tpu.memory_space<semaphore_mem>>
      %dma_wait3A_275 = arith.constant 0 : i32
      %dma_wait3A_276 = arith.constant 0 : i32
      %dma_wait3A_277 = tpu.memref_slice %arg5[%dma_wait3A_264, %dma_wait3A_275, %dma_wait3A_276] : memref<2x16x1024xf32, #tpu.memory_space<vmem>> -> memref<1x16x1024xf32, #tpu.memory_space<vmem>>
      %dma_wait3A_278 = tpu.memref_squeeze %dma_wait3A_277 : memref<1x16x1024xf32, #tpu.memory_space<vmem>> -> memref<16x1024xf32, #tpu.memory_space<vmem>>
      %dma_wait3A_279 = arith.constant 0 : i32
      %dma_wait3A_280 = tpu.memref_slice %arg2[%select_n3A, %add3A_263, %dma_wait3A_279] : memref<4x8192x1024xf32, #tpu.memory_space<hbm>> -> memref<1x16x1024xf32, #tpu.memory_space<hbm>>
      %dma_wait3A_281 = tpu.memref_squeeze %dma_wait3A_280 : memref<1x16x1024xf32, #tpu.memory_space<hbm>> -> memref<16x1024xf32, #tpu.memory_space<hbm>>
      tpu.wait_dma2 semaphore(%dma_wait3A_274 : memref<!tpu.dma_semaphore, #tpu.memory_space<semaphore_mem>>) src(%dma_wait3A_281 : memref<16x1024xf32, #tpu.memory_space<hbm>>) dst(%dma_wait3A_278 : memref<16x1024xf32, #tpu.memory_space<vmem>>)
      %ge3A = arith.constant 2 : i32
      %ge3A_282 = arith.cmpi sge, %add3A_236, %ge3A : i32
      %convert_element_type3A_283 = arith.extui %ge3A_282 : i1 to i32
      %cond3A_284 = arith.constant 0 : i32
      %cond3A_285 = arith.cmpi ne, %convert_element_type3A_283, %cond3A_284 : i32
      scf.if %cond3A_285 {
        %sub3A_402 = arith.constant 2 : i32
        %sub3A_403 = arith.subi %add3A_236, %sub3A_402 : i32
        %mul3A_404 = arith.constant 16 : i32
        %mul3A_405 = arith.muli %sub3A_403, %mul3A_404 : i32
        %add3A_406 = arith.addi %mul3A_32, %mul3A_405 : i32
        %dma_wait3A_407 = arith.constant 0 : i32
        %dma_wait3A_408 = arith.constant 0 : i32
        %dma_wait3A_409 = arith.constant 0 : i32
        %dma_wait3A_410 = arith.constant 0 : i32
        %dma_wait3A_411 = tpu.memref_slice %arg7[%dma_wait3A_407, %dma_wait3A_409, %dma_wait3A_410] : memref<2x16x1024xf32, #tpu.memory_space<vmem>> -> memref<1x16x1024xf32, #tpu.memory_space<vmem>>
        %dma_wait3A_412 = tpu.memref_squeeze %dma_wait3A_411 : memref<1x16x1024xf32, #tpu.memory_space<vmem>> -> memref<16x1024xf32, #tpu.memory_space<vmem>>
        %dma_wait3A_413 = arith.constant 0 : i32
        %dma_wait3A_414 = tpu.memref_slice %arg4[%select_n3A, %add3A_406, %dma_wait3A_413] : memref<4x8192x1024xf32, #tpu.memory_space<hbm>> -> memref<1x16x1024xf32, #tpu.memory_space<hbm>>
        %dma_wait3A_415 = tpu.memref_squeeze %dma_wait3A_414 : memref<1x16x1024xf32, #tpu.memory_space<hbm>> -> memref<16x1024xf32, #tpu.memory_space<hbm>>
        %dma_wait3A_416 = tpu.memref_slice %arg11[%dma_wait3A_408] : memref<2x!tpu.dma_semaphore, #tpu.memory_space<semaphore_mem>> -> memref<1x!tpu.dma_semaphore, #tpu.memory_space<semaphore_mem>>
        %dma_wait3A_417 = tpu.memref_squeeze %dma_wait3A_416 : memref<1x!tpu.dma_semaphore, #tpu.memory_space<semaphore_mem>> -> memref<!tpu.dma_semaphore, #tpu.memory_space<semaphore_mem>>
        %dma_wait3A_418 = arith.constant 0 : i32
        %dma_wait3A_419 = tpu.memref_slice %arg4[%select_n3A, %add3A_406, %dma_wait3A_418] : memref<4x8192x1024xf32, #tpu.memory_space<hbm>> -> memref<1x16x1024xf32, #tpu.memory_space<hbm>>
        %dma_wait3A_420 = tpu.memref_squeeze %dma_wait3A_419 : memref<1x16x1024xf32, #tpu.memory_space<hbm>> -> memref<16x1024xf32, #tpu.memory_space<hbm>>
        %dma_wait3A_421 = arith.constant 0 : i32
        %dma_wait3A_422 = arith.constant 0 : i32
        %dma_wait3A_423 = tpu.memref_slice %arg7[%dma_wait3A_407, %dma_wait3A_421, %dma_wait3A_422] : memref<2x16x1024xf32, #tpu.memory_space<vmem>> -> memref<1x16x1024xf32, #tpu.memory_space<vmem>>
        %dma_wait3A_424 = tpu.memref_squeeze %dma_wait3A_423 : memref<1x16x1024xf32, #tpu.memory_space<vmem>> -> memref<16x1024xf32, #tpu.memory_space<vmem>>
        tpu.wait_dma2 semaphore(%dma_wait3A_417 : memref<!tpu.dma_semaphore, #tpu.memory_space<semaphore_mem>>) src(%dma_wait3A_424 : memref<16x1024xf32, #tpu.memory_space<vmem>>) dst(%dma_wait3A_420 : memref<16x1024xf32, #tpu.memory_space<hbm>>)
      } else {
      }
      %parallel_loop3A = arith.constant 0 : i32
      %parallel_loop3A_286 = arith.constant 1024 : i32
      %parallel_loop3A_287 = arith.constant 1 : i32
      scf.for %parallel_loop3A_402 = %parallel_loop3A to %parallel_loop3A_286 step %parallel_loop3A_287  : i32 {
        %parallel_loop3A_403 = arith.constant 64 : i32
        %parallel_loop3A_404 = arith.divsi %parallel_loop3A_402, %parallel_loop3A_403 : i32
        %parallel_loop3A_405 = arith.constant 0 : i32
        %parallel_loop3A_406 = arith.cmpi sgt, %parallel_loop3A_402, %parallel_loop3A_405 : i32
        %parallel_loop3A_407 = arith.extui %parallel_loop3A_406 : i1 to i32
        %parallel_loop3A_408 = arith.constant 0 : i32
        %parallel_loop3A_409 = arith.cmpi slt, %parallel_loop3A_402, %parallel_loop3A_408 : i32
        %parallel_loop3A_410 = arith.extui %parallel_loop3A_409 : i1 to i32
        %parallel_loop3A_411 = arith.subi %parallel_loop3A_407, %parallel_loop3A_410 : i32
        %parallel_loop3A_412 = arith.constant 0 : i32
        %parallel_loop3A_413 = arith.cmpi sgt, %parallel_loop3A_403, %parallel_loop3A_412 : i32
        %parallel_loop3A_414 = arith.extui %parallel_loop3A_413 : i1 to i32
        %parallel_loop3A_415 = arith.constant 0 : i32
        %parallel_loop3A_416 = arith.cmpi slt, %parallel_loop3A_403, %parallel_loop3A_415 : i32
        %parallel_loop3A_417 = arith.extui %parallel_loop3A_416 : i1 to i32
        %parallel_loop3A_418 = arith.subi %parallel_loop3A_414, %parallel_loop3A_417 : i32
        %parallel_loop3A_419 = arith.cmpi ne, %parallel_loop3A_411, %parallel_loop3A_418 : i32
        %parallel_loop3A_420 = arith.remsi %parallel_loop3A_402, %parallel_loop3A_403 : i32
        %parallel_loop3A_421 = arith.constant 0 : i32
        %parallel_loop3A_422 = arith.cmpi ne, %parallel_loop3A_420, %parallel_loop3A_421 : i32
        %parallel_loop3A_423 = arith.andi %parallel_loop3A_419, %parallel_loop3A_422 : i1
        %parallel_loop3A_424 = arith.constant 1 : i32
        %parallel_loop3A_425 = arith.subi %parallel_loop3A_404, %parallel_loop3A_424 : i32
        %parallel_loop3A_426 = arith.select %parallel_loop3A_423, %parallel_loop3A_425, %parallel_loop3A_404 : i32
        %parallel_loop3A_427 = arith.constant 64 : i32
        %parallel_loop3A_428 = arith.constant 0 : i32
        %parallel_loop3A_429 = arith.cmpi eq, %parallel_loop3A_427, %parallel_loop3A_428 : i32
        %parallel_loop3A_430 = arith.constant 1 : i32
        %parallel_loop3A_431 = arith.select %parallel_loop3A_429, %parallel_loop3A_430, %parallel_loop3A_427 : i32
        %parallel_loop3A_432 = arith.remsi %parallel_loop3A_402, %parallel_loop3A_431 : i32
        %parallel_loop3A_433 = arith.constant 0 : i32
        %parallel_loop3A_434 = arith.cmpi ne, %parallel_loop3A_432, %parallel_loop3A_433 : i32
        %parallel_loop3A_435 = arith.constant 0 : i32
        %parallel_loop3A_436 = arith.cmpi slt, %parallel_loop3A_432, %parallel_loop3A_435 : i32
        %parallel_loop3A_437 = arith.constant 0 : i32
        %parallel_loop3A_438 = arith.cmpi slt, %parallel_loop3A_431, %parallel_loop3A_437 : i32
        %parallel_loop3A_439 = arith.xori %parallel_loop3A_436, %parallel_loop3A_438 : i1
        %parallel_loop3A_440 = arith.andi %parallel_loop3A_439, %parallel_loop3A_434 : i1
        %parallel_loop3A_441 = arith.addi %parallel_loop3A_432, %parallel_loop3A_431 : i32
        %parallel_loop3A_442 = arith.select %parallel_loop3A_440, %parallel_loop3A_441, %parallel_loop3A_432 : i32
        %parallel_loop3A_443 = arith.constant 16 : i32
        %parallel_loop3A_444 = arith.muli %parallel_loop3A_442, %parallel_loop3A_443 : i32
        %parallel_loop3A_445 = arith.constant 0 : i32
        %parallel_loop3A_446 = arith.index_cast %parallel_loop3A_445 : i32 to index
        %parallel_loop3A_447 = arith.index_cast %parallel_loop3A_426 : i32 to index
        %parallel_loop3A_448 = arith.index_cast %parallel_loop3A_444 : i32 to index
        %parallel_loop3A_449 = tpu.vector_load %arg5[%parallel_loop3A_446, %parallel_loop3A_447, %parallel_loop3A_448] {strides = array<i32>} : memref<2x16x1024xf32, #tpu.memory_space<vmem>>, vector<1x1x16xf32>,
        %parallel_loop3A_450 = vector.shape_cast %parallel_loop3A_449 : vector<1x1x16xf32> to vector<16xf32>
        %parallel_loop3A_451 = arith.constant 0 : i32
        %parallel_loop3A_452 = arith.index_cast %parallel_loop3A_451 : i32 to index
        %parallel_loop3A_453 = arith.index_cast %parallel_loop3A_426 : i32 to index
        %parallel_loop3A_454 = arith.index_cast %parallel_loop3A_444 : i32 to index
        %parallel_loop3A_455 = tpu.vector_load %arg6[%parallel_loop3A_452, %parallel_loop3A_453, %parallel_loop3A_454] {strides = array<i32>} : memref<2x16x1024xf32, #tpu.memory_space<vmem>>, vector<1x1x16xf32>,
        %parallel_loop3A_456 = vector.shape_cast %parallel_loop3A_455 : vector<1x1x16xf32> to vector<16xf32>
        %parallel_loop3A_457 = arith.addf %parallel_loop3A_450, %parallel_loop3A_456 : vector<16xf32>
        %parallel_loop3A_458 = arith.constant 0 : i32
        %parallel_loop3A_459 = arith.index_cast %parallel_loop3A_458 : i32 to index
        %parallel_loop3A_460 = arith.index_cast %parallel_loop3A_426 : i32 to index
        %parallel_loop3A_461 = arith.index_cast %parallel_loop3A_444 : i32 to index
        %parallel_loop3A_462 = tpu.vector_load %arg7[%parallel_loop3A_459, %parallel_loop3A_460, %parallel_loop3A_461] {strides = array<i32>} : memref<2x16x1024xf32, #tpu.memory_space<vmem>>, vector<1x1x16xf32>,
        %parallel_loop3A_463 = vector.shape_cast %parallel_loop3A_462 : vector<1x1x16xf32> to vector<16xf32>
        %parallel_loop3A_464 = vector.shape_cast %parallel_loop3A_457 : vector<16xf32> to vector<1x1x16xf32>
        tpu.vector_store %arg7[%parallel_loop3A_459, %parallel_loop3A_460, %parallel_loop3A_461], %parallel_loop3A_464 {strides = array<i32>} : memref<2x16x1024xf32, #tpu.memory_space<vmem>>, vector<1x1x16xf32>,
      } {sc.loop_unroll_factor = 8 : i64, sc.parallel_access}
      %mul3A_288 = arith.constant 16 : i32
      %mul3A_289 = arith.muli %add3A_236, %mul3A_288 : i32
      %add3A_290 = arith.addi %mul3A_32, %mul3A_289 : i32
      %dma_start3A_291 = arith.constant 0 : i32
      %dma_start3A_292 = arith.constant 0 : i32
      %dma_start3A_293 = arith.constant 0 : i32
      %dma_start3A_294 = arith.constant 0 : i32
      %dma_start3A_295 = tpu.memref_slice %arg7[%dma_start3A_291, %dma_start3A_293, %dma_start3A_294] : memref<2x16x1024xf32, #tpu.memory_space<vmem>> -> memref<1x16x1024xf32, #tpu.memory_space<vmem>>
      %dma_start3A_296 = tpu.memref_squeeze %dma_start3A_295 : memref<1x16x1024xf32, #tpu.memory_space<vmem>> -> memref<16x1024xf32, #tpu.memory_space<vmem>>
      %dma_start3A_297 = arith.constant 0 : i32
      %dma_start3A_298 = tpu.memref_slice %arg4[%select_n3A, %add3A_290, %dma_start3A_297] : memref<4x8192x1024xf32, #tpu.memory_space<hbm>> -> memref<1x16x1024xf32, #tpu.memory_space<hbm>>
      %dma_start3A_299 = tpu.memref_squeeze %dma_start3A_298 : memref<1x16x1024xf32, #tpu.memory_space<hbm>> -> memref<16x1024xf32, #tpu.memory_space<hbm>>
      %dma_start3A_300 = tpu.memref_slice %arg11[%dma_start3A_292] : memref<2x!tpu.dma_semaphore, #tpu.memory_space<semaphore_mem>> -> memref<1x!tpu.dma_semaphore, #tpu.memory_space<semaphore_mem>>
      %dma_start3A_301 = tpu.memref_squeeze %dma_start3A_300 : memref<1x!tpu.dma_semaphore, #tpu.memory_space<semaphore_mem>> -> memref<!tpu.dma_semaphore, #tpu.memory_space<semaphore_mem>>
      %dma_start3A_302 = arith.constant 0 : i32
      %dma_start3A_303 = tpu.memref_slice %arg4[%select_n3A, %add3A_290, %dma_start3A_302] : memref<4x8192x1024xf32, #tpu.memory_space<hbm>> -> memref<1x16x1024xf32, #tpu.memory_space<hbm>>
      %dma_start3A_304 = tpu.memref_squeeze %dma_start3A_303 : memref<1x16x1024xf32, #tpu.memory_space<hbm>> -> memref<16x1024xf32, #tpu.memory_space<hbm>>
      %dma_start3A_305 = arith.constant 0 : i32
      %dma_start3A_306 = arith.constant 0 : i32
      %dma_start3A_307 = tpu.memref_slice %arg7[%dma_start3A_291, %dma_start3A_305, %dma_start3A_306] : memref<2x16x1024xf32, #tpu.memory_space<vmem>> -> memref<1x16x1024xf32, #tpu.memory_space<vmem>>
      %dma_start3A_308 = tpu.memref_squeeze %dma_start3A_307 : memref<1x16x1024xf32, #tpu.memory_space<vmem>> -> memref<16x1024xf32, #tpu.memory_space<vmem>>
      tpu.enqueue_dma source(%dma_start3A_308 : memref<16x1024xf32, #tpu.memory_space<vmem>>) target(%dma_start3A_304 : memref<16x1024xf32, #tpu.memory_space<hbm>>) target_semaphore(%dma_start3A_301 : memref<!tpu.dma_semaphore, #tpu.memory_space<semaphore_mem>>)
      %add3A_309 = arith.constant 2 : i32
      %add3A_310 = arith.addi %add3A_236, %add3A_309 : i32
      %lt3A_311 = arith.constant 64 : i32
      %lt3A_312 = arith.cmpi slt, %add3A_310, %lt3A_311 : i32
      %convert_element_type3A_313 = arith.extui %lt3A_312 : i1 to i32
      %cond3A_314 = arith.constant 0 : i32
      %cond3A_315 = arith.cmpi ne, %convert_element_type3A_313, %cond3A_314 : i32
      scf.if %cond3A_315 {
        %add3A_402 = arith.constant 2 : i32
        %add3A_403 = arith.addi %add3A_236, %add3A_402 : i32
        %mul3A_404 = arith.constant 16 : i32
        %mul3A_405 = arith.muli %add3A_403, %mul3A_404 : i32
        %add3A_406 = arith.addi %mul3A_32, %mul3A_405 : i32
        %dma_start3A_407 = arith.constant 0 : i32
        %dma_start3A_408 = arith.constant 0 : i32
        %dma_start3A_409 = arith.constant 0 : i32
        %dma_start3A_410 = arith.constant 0 : i32
        %dma_start3A_411 = tpu.memref_slice %arg5[%dma_start3A_407, %dma_start3A_409, %dma_start3A_410] : memref<2x16x1024xf32, #tpu.memory_space<vmem>> -> memref<1x16x1024xf32, #tpu.memory_space<vmem>>
        %dma_start3A_412 = tpu.memref_squeeze %dma_start3A_411 : memref<1x16x1024xf32, #tpu.memory_space<vmem>> -> memref<16x1024xf32, #tpu.memory_space<vmem>>
        %dma_start3A_413 = arith.constant 0 : i32
        %dma_start3A_414 = tpu.memref_slice %arg2[%select_n3A, %add3A_406, %dma_start3A_413] : memref<4x8192x1024xf32, #tpu.memory_space<hbm>> -> memref<1x16x1024xf32, #tpu.memory_space<hbm>>
        %dma_start3A_415 = tpu.memref_squeeze %dma_start3A_414 : memref<1x16x1024xf32, #tpu.memory_space<hbm>> -> memref<16x1024xf32, #tpu.memory_space<hbm>>
        %dma_start3A_416 = tpu.memref_slice %arg9[%dma_start3A_408] : memref<2x!tpu.dma_semaphore, #tpu.memory_space<semaphore_mem>> -> memref<1x!tpu.dma_semaphore, #tpu.memory_space<semaphore_mem>>
        %dma_start3A_417 = tpu.memref_squeeze %dma_start3A_416 : memref<1x!tpu.dma_semaphore, #tpu.memory_space<semaphore_mem>> -> memref<!tpu.dma_semaphore, #tpu.memory_space<semaphore_mem>>
        %dma_start3A_418 = arith.constant 0 : i32
        %dma_start3A_419 = arith.constant 0 : i32
        %dma_start3A_420 = tpu.memref_slice %arg5[%dma_start3A_407, %dma_start3A_418, %dma_start3A_419] : memref<2x16x1024xf32, #tpu.memory_space<vmem>> -> memref<1x16x1024xf32, #tpu.memory_space<vmem>>
        %dma_start3A_421 = tpu.memref_squeeze %dma_start3A_420 : memref<1x16x1024xf32, #tpu.memory_space<vmem>> -> memref<16x1024xf32, #tpu.memory_space<vmem>>
        %dma_start3A_422 = arith.constant 0 : i32
        %dma_start3A_423 = tpu.memref_slice %arg2[%select_n3A, %add3A_406, %dma_start3A_422] : memref<4x8192x1024xf32, #tpu.memory_space<hbm>> -> memref<1x16x1024xf32, #tpu.memory_space<hbm>>
        %dma_start3A_424 = tpu.memref_squeeze %dma_start3A_423 : memref<1x16x1024xf32, #tpu.memory_space<hbm>> -> memref<16x1024xf32, #tpu.memory_space<hbm>>
        tpu.enqueue_dma source(%dma_start3A_424 : memref<16x1024xf32, #tpu.memory_space<hbm>>) target(%dma_start3A_421 : memref<16x1024xf32, #tpu.memory_space<vmem>>) target_semaphore(%dma_start3A_417 : memref<!tpu.dma_semaphore, #tpu.memory_space<semaphore_mem>>)
      } else {
      }
      %mul3A_316 = arith.constant 2 : i32
      %mul3A_317 = arith.muli %scan3A_120, %mul3A_316 : i32
      %add3A_318 = arith.constant 1 : i32
      %add3A_319 = arith.addi %mul3A_317, %add3A_318 : i32
      %mul3A_320 = arith.constant 2 : i32
      %mul3A_321 = arith.muli %select_n3A_137, %mul3A_320 : i32
      %add3A_322 = arith.constant 1 : i32
      %add3A_323 = arith.addi %mul3A_321, %add3A_322 : i32
      %dma_wait3A_324 = arith.constant 1 : i32
      %dma_wait3A_325 = arith.constant 1 : i32
      %dma_wait3A_326 = arith.constant 0 : i32
      %dma_wait3A_327 = arith.constant 0 : i32
      %dma_wait3A_328 = tpu.memref_slice %arg6[%dma_wait3A_324, %dma_wait3A_326, %dma_wait3A_327] : memref<2x16x1024xf32, #tpu.memory_space<vmem>> -> memref<1x16x1024xf32, #tpu.memory_space<vmem>>
      %dma_wait3A_329 = tpu.memref_squeeze %dma_wait3A_328 : memref<1x16x1024xf32, #tpu.memory_space<vmem>> -> memref<16x1024xf32, #tpu.memory_space<vmem>>
      %dma_wait3A_330 = arith.constant 0 : i32
      %dma_wait3A_331 = arith.constant 0 : i32
      %dma_wait3A_332 = tpu.memref_slice %arg8[%select_n3A_28, %add3A_323, %dma_wait3A_330, %dma_wait3A_331] : memref<4x4x16x1024xf32, #tpu.memory_space<vmem_shared>> -> memref<1x1x16x1024xf32, #tpu.memory_space<vmem_shared>>
      %dma_wait3A_333 = tpu.memref_squeeze %dma_wait3A_332 : memref<1x1x16x1024xf32, #tpu.memory_space<vmem_shared>> -> memref<16x1024xf32, #tpu.memory_space<vmem_shared>>
      %dma_wait3A_334 = tpu.memref_slice %arg10[%dma_wait3A_325] : memref<2x!tpu.dma_semaphore, #tpu.memory_space<semaphore_mem>> -> memref<1x!tpu.dma_semaphore, #tpu.memory_space<semaphore_mem>>
      %dma_wait3A_335 = tpu.memref_squeeze %dma_wait3A_334 : memref<1x!tpu.dma_semaphore, #tpu.memory_space<semaphore_mem>> -> memref<!tpu.dma_semaphore, #tpu.memory_space<semaphore_mem>>
      %dma_wait3A_336 = arith.constant 0 : i32
      %dma_wait3A_337 = arith.constant 0 : i32
      %dma_wait3A_338 = tpu.memref_slice %arg6[%dma_wait3A_324, %dma_wait3A_336, %dma_wait3A_337] : memref<2x16x1024xf32, #tpu.memory_space<vmem>> -> memref<1x16x1024xf32, #tpu.memory_space<vmem>>
      %dma_wait3A_339 = tpu.memref_squeeze %dma_wait3A_338 : memref<1x16x1024xf32, #tpu.memory_space<vmem>> -> memref<16x1024xf32, #tpu.memory_space<vmem>>
      %dma_wait3A_340 = arith.constant 0 : i32
      %dma_wait3A_341 = arith.constant 0 : i32
      %dma_wait3A_342 = tpu.memref_slice %arg8[%select_n3A_28, %add3A_323, %dma_wait3A_340, %dma_wait3A_341] : memref<4x4x16x1024xf32, #tpu.memory_space<vmem_shared>> -> memref<1x1x16x1024xf32, #tpu.memory_space<vmem_shared>>
      %dma_wait3A_343 = tpu.memref_squeeze %dma_wait3A_342 : memref<1x1x16x1024xf32, #tpu.memory_space<vmem_shared>> -> memref<16x1024xf32, #tpu.memory_space<vmem_shared>>
      tpu.wait_dma2 semaphore(%dma_wait3A_335 : memref<!tpu.dma_semaphore, #tpu.memory_space<semaphore_mem>>) src(%dma_wait3A_343 : memref<16x1024xf32, #tpu.memory_space<vmem_shared>>) dst(%dma_wait3A_339 : memref<16x1024xf32, #tpu.memory_space<vmem>>)
      %mul3A_344 = arith.constant 16 : i32
      %mul3A_345 = arith.muli %add3A_319, %mul3A_344 : i32
      %add3A_346 = arith.addi %mul3A_32, %mul3A_345 : i32
      %dma_wait3A_347 = arith.constant 1 : i32
      %dma_wait3A_348 = arith.constant 1 : i32
      %dma_wait3A_349 = arith.constant 0 : i32
      %dma_wait3A_350 = arith.constant 0 : i32
      %dma_wait3A_351 = tpu.memref_slice %arg5[%dma_wait3A_347, %dma_wait3A_349, %dma_wait3A_350] : memref<2x16x1024xf32, #tpu.memory_space<vmem>> -> memref<1x16x1024xf32, #tpu.memory_space<vmem>>
      %dma_wait3A_352 = tpu.memref_squeeze %dma_wait3A_351 : memref<1x16x1024xf32, #tpu.memory_space<vmem>> -> memref<16x1024xf32, #tpu.memory_space<vmem>>
      %dma_wait3A_353 = arith.constant 0 : i32
      %dma_wait3A_354 = tpu.memref_slice %arg2[%select_n3A, %add3A_346, %dma_wait3A_353] : memref<4x8192x1024xf32, #tpu.memory_space<hbm>> -> memref<1x16x1024xf32, #tpu.memory_space<hbm>>
      %dma_wait3A_355 = tpu.memref_squeeze %dma_wait3A_354 : memref<1x16x1024xf32, #tpu.memory_space<hbm>> -> memref<16x1024xf32, #tpu.memory_space<hbm>>
      %dma_wait3A_356 = tpu.memref_slice %arg9[%dma_wait3A_348] : memref<2x!tpu.dma_semaphore, #tpu.memory_space<semaphore_mem>> -> memref<1x!tpu.dma_semaphore, #tpu.memory_space<semaphore_mem>>
      %dma_wait3A_357 = tpu.memref_squeeze %dma_wait3A_356 : memref<1x!tpu.dma_semaphore, #tpu.memory_space<semaphore_mem>> -> memref<!tpu.dma_semaphore, #tpu.memory_space<semaphore_mem>>
      %dma_wait3A_358 = arith.constant 0 : i32
      %dma_wait3A_359 = arith.constant 0 : i32
      %dma_wait3A_360 = tpu.memref_slice %arg5[%dma_wait3A_347, %dma_wait3A_358, %dma_wait3A_359] : memref<2x16x1024xf32, #tpu.memory_space<vmem>> -> memref<1x16x1024xf32, #tpu.memory_space<vmem>>
      %dma_wait3A_361 = tpu.memref_squeeze %dma_wait3A_360 : memref<1x16x1024xf32, #tpu.memory_space<vmem>> -> memref<16x1024xf32, #tpu.memory_space<vmem>>
      %dma_wait3A_362 = arith.constant 0 : i32
      %dma_wait3A_363 = tpu.memref_slice %arg2[%select_n3A, %add3A_346, %dma_wait3A_362] : memref<4x8192x1024xf32, #tpu.memory_space<hbm>> -> memref<1x16x1024xf32, #tpu.memory_space<hbm>>
      %dma_wait3A_364 = tpu.memref_squeeze %dma_wait3A_363 : memref<1x16x1024xf32, #tpu.memory_space<hbm>> -> memref<16x1024xf32, #tpu.memory_space<hbm>>
      tpu.wait_dma2 semaphore(%dma_wait3A_357 : memref<!tpu.dma_semaphore, #tpu.memory_space<semaphore_mem>>) src(%dma_wait3A_364 : memref<16x1024xf32, #tpu.memory_space<hbm>>) dst(%dma_wait3A_361 : memref<16x1024xf32, #tpu.memory_space<vmem>>)
      %ge3A_365 = arith.constant 2 : i32
      %ge3A_366 = arith.cmpi sge, %add3A_319, %ge3A_365 : i32
      %convert_element_type3A_367 = arith.extui %ge3A_366 : i1 to i32
      %cond3A_368 = arith.constant 0 : i32
      %cond3A_369 = arith.cmpi ne, %convert_element_type3A_367, %cond3A_368 : i32
      scf.if %cond3A_369 {
        %sub3A_402 = arith.constant 2 : i32
        %sub3A_403 = arith.subi %add3A_319, %sub3A_402 : i32
        %mul3A_404 = arith.constant 16 : i32
        %mul3A_405 = arith.muli %sub3A_403, %mul3A_404 : i32
        %add3A_406 = arith.addi %mul3A_32, %mul3A_405 : i32
        %dma_wait3A_407 = arith.constant 1 : i32
        %dma_wait3A_408 = arith.constant 1 : i32
        %dma_wait3A_409 = arith.constant 0 : i32
        %dma_wait3A_410 = arith.constant 0 : i32
        %dma_wait3A_411 = tpu.memref_slice %arg7[%dma_wait3A_407, %dma_wait3A_409, %dma_wait3A_410] : memref<2x16x1024xf32, #tpu.memory_space<vmem>> -> memref<1x16x1024xf32, #tpu.memory_space<vmem>>
        %dma_wait3A_412 = tpu.memref_squeeze %dma_wait3A_411 : memref<1x16x1024xf32, #tpu.memory_space<vmem>> -> memref<16x1024xf32, #tpu.memory_space<vmem>>
        %dma_wait3A_413 = arith.constant 0 : i32
        %dma_wait3A_414 = tpu.memref_slice %arg4[%select_n3A, %add3A_406, %dma_wait3A_413] : memref<4x8192x1024xf32, #tpu.memory_space<hbm>> -> memref<1x16x1024xf32, #tpu.memory_space<hbm>>
        %dma_wait3A_415 = tpu.memref_squeeze %dma_wait3A_414 : memref<1x16x1024xf32, #tpu.memory_space<hbm>> -> memref<16x1024xf32, #tpu.memory_space<hbm>>
        %dma_wait3A_416 = tpu.memref_slice %arg11[%dma_wait3A_408] : memref<2x!tpu.dma_semaphore, #tpu.memory_space<semaphore_mem>> -> memref<1x!tpu.dma_semaphore, #tpu.memory_space<semaphore_mem>>
        %dma_wait3A_417 = tpu.memref_squeeze %dma_wait3A_416 : memref<1x!tpu.dma_semaphore, #tpu.memory_space<semaphore_mem>> -> memref<!tpu.dma_semaphore, #tpu.memory_space<semaphore_mem>>
        %dma_wait3A_418 = arith.constant 0 : i32
        %dma_wait3A_419 = tpu.memref_slice %arg4[%select_n3A, %add3A_406, %dma_wait3A_418] : memref<4x8192x1024xf32, #tpu.memory_space<hbm>> -> memref<1x16x1024xf32, #tpu.memory_space<hbm>>
        %dma_wait3A_420 = tpu.memref_squeeze %dma_wait3A_419 : memref<1x16x1024xf32, #tpu.memory_space<hbm>> -> memref<16x1024xf32, #tpu.memory_space<hbm>>
        %dma_wait3A_421 = arith.constant 0 : i32
        %dma_wait3A_422 = arith.constant 0 : i32
        %dma_wait3A_423 = tpu.memref_slice %arg7[%dma_wait3A_407, %dma_wait3A_421, %dma_wait3A_422] : memref<2x16x1024xf32, #tpu.memory_space<vmem>> -> memref<1x16x1024xf32, #tpu.memory_space<vmem>>
        %dma_wait3A_424 = tpu.memref_squeeze %dma_wait3A_423 : memref<1x16x1024xf32, #tpu.memory_space<vmem>> -> memref<16x1024xf32, #tpu.memory_space<vmem>>
        tpu.wait_dma2 semaphore(%dma_wait3A_417 : memref<!tpu.dma_semaphore, #tpu.memory_space<semaphore_mem>>) src(%dma_wait3A_424 : memref<16x1024xf32, #tpu.memory_space<vmem>>) dst(%dma_wait3A_420 : memref<16x1024xf32, #tpu.memory_space<hbm>>)
      } else {
      }
      %parallel_loop3A_370 = arith.constant 0 : i32
      %parallel_loop3A_371 = arith.constant 1024 : i32
      %parallel_loop3A_372 = arith.constant 1 : i32
      scf.for %parallel_loop3A_402 = %parallel_loop3A_370 to %parallel_loop3A_371 step %parallel_loop3A_372  : i32 {
        %parallel_loop3A_403 = arith.constant 64 : i32
        %parallel_loop3A_404 = arith.divsi %parallel_loop3A_402, %parallel_loop3A_403 : i32
        %parallel_loop3A_405 = arith.constant 0 : i32
        %parallel_loop3A_406 = arith.cmpi sgt, %parallel_loop3A_402, %parallel_loop3A_405 : i32
        %parallel_loop3A_407 = arith.extui %parallel_loop3A_406 : i1 to i32
        %parallel_loop3A_408 = arith.constant 0 : i32
        %parallel_loop3A_409 = arith.cmpi slt, %parallel_loop3A_402, %parallel_loop3A_408 : i32
        %parallel_loop3A_410 = arith.extui %parallel_loop3A_409 : i1 to i32
        %parallel_loop3A_411 = arith.subi %parallel_loop3A_407, %parallel_loop3A_410 : i32
        %parallel_loop3A_412 = arith.constant 0 : i32
        %parallel_loop3A_413 = arith.cmpi sgt, %parallel_loop3A_403, %parallel_loop3A_412 : i32
        %parallel_loop3A_414 = arith.extui %parallel_loop3A_413 : i1 to i32
        %parallel_loop3A_415 = arith.constant 0 : i32
        %parallel_loop3A_416 = arith.cmpi slt, %parallel_loop3A_403, %parallel_loop3A_415 : i32
        %parallel_loop3A_417 = arith.extui %parallel_loop3A_416 : i1 to i32
        %parallel_loop3A_418 = arith.subi %parallel_loop3A_414, %parallel_loop3A_417 : i32
        %parallel_loop3A_419 = arith.cmpi ne, %parallel_loop3A_411, %parallel_loop3A_418 : i32
        %parallel_loop3A_420 = arith.remsi %parallel_loop3A_402, %parallel_loop3A_403 : i32
        %parallel_loop3A_421 = arith.constant 0 : i32
        %parallel_loop3A_422 = arith.cmpi ne, %parallel_loop3A_420, %parallel_loop3A_421 : i32
        %parallel_loop3A_423 = arith.andi %parallel_loop3A_419, %parallel_loop3A_422 : i1
        %parallel_loop3A_424 = arith.constant 1 : i32
        %parallel_loop3A_425 = arith.subi %parallel_loop3A_404, %parallel_loop3A_424 : i32
        %parallel_loop3A_426 = arith.select %parallel_loop3A_423, %parallel_loop3A_425, %parallel_loop3A_404 : i32
        %parallel_loop3A_427 = arith.constant 64 : i32
        %parallel_loop3A_428 = arith.constant 0 : i32
        %parallel_loop3A_429 = arith.cmpi eq, %parallel_loop3A_427, %parallel_loop3A_428 : i32
        %parallel_loop3A_430 = arith.constant 1 : i32
        %parallel_loop3A_431 = arith.select %parallel_loop3A_429, %parallel_loop3A_430, %parallel_loop3A_427 : i32
        %parallel_loop3A_432 = arith.remsi %parallel_loop3A_402, %parallel_loop3A_431 : i32
        %parallel_loop3A_433 = arith.constant 0 : i32
        %parallel_loop3A_434 = arith.cmpi ne, %parallel_loop3A_432, %parallel_loop3A_433 : i32
        %parallel_loop3A_435 = arith.constant 0 : i32
        %parallel_loop3A_436 = arith.cmpi slt, %parallel_loop3A_432, %parallel_loop3A_435 : i32
        %parallel_loop3A_437 = arith.constant 0 : i32
        %parallel_loop3A_438 = arith.cmpi slt, %parallel_loop3A_431, %parallel_loop3A_437 : i32
        %parallel_loop3A_439 = arith.xori %parallel_loop3A_436, %parallel_loop3A_438 : i1
        %parallel_loop3A_440 = arith.andi %parallel_loop3A_439, %parallel_loop3A_434 : i1
        %parallel_loop3A_441 = arith.addi %parallel_loop3A_432, %parallel_loop3A_431 : i32
        %parallel_loop3A_442 = arith.select %parallel_loop3A_440, %parallel_loop3A_441, %parallel_loop3A_432 : i32
        %parallel_loop3A_443 = arith.constant 16 : i32
        %parallel_loop3A_444 = arith.muli %parallel_loop3A_442, %parallel_loop3A_443 : i32
        %parallel_loop3A_445 = arith.constant 1 : i32
        %parallel_loop3A_446 = arith.index_cast %parallel_loop3A_445 : i32 to index
        %parallel_loop3A_447 = arith.index_cast %parallel_loop3A_426 : i32 to index
        %parallel_loop3A_448 = arith.index_cast %parallel_loop3A_444 : i32 to index
        %parallel_loop3A_449 = tpu.vector_load %arg5[%parallel_loop3A_446, %parallel_loop3A_447, %parallel_loop3A_448] {strides = array<i32>} : memref<2x16x1024xf32, #tpu.memory_space<vmem>>, vector<1x1x16xf32>,
        %parallel_loop3A_450 = vector.shape_cast %parallel_loop3A_449 : vector<1x1x16xf32> to vector<16xf32>
        %parallel_loop3A_451 = arith.constant 1 : i32
        %parallel_loop3A_452 = arith.index_cast %parallel_loop3A_451 : i32 to index
        %parallel_loop3A_453 = arith.index_cast %parallel_loop3A_426 : i32 to index
        %parallel_loop3A_454 = arith.index_cast %parallel_loop3A_444 : i32 to index
        %parallel_loop3A_455 = tpu.vector_load %arg6[%parallel_loop3A_452, %parallel_loop3A_453, %parallel_loop3A_454] {strides = array<i32>} : memref<2x16x1024xf32, #tpu.memory_space<vmem>>, vector<1x1x16xf32>,
        %parallel_loop3A_456 = vector.shape_cast %parallel_loop3A_455 : vector<1x1x16xf32> to vector<16xf32>
        %parallel_loop3A_457 = arith.addf %parallel_loop3A_450, %parallel_loop3A_456 : vector<16xf32>
        %parallel_loop3A_458 = arith.constant 1 : i32
        %parallel_loop3A_459 = arith.index_cast %parallel_loop3A_458 : i32 to index
        %parallel_loop3A_460 = arith.index_cast %parallel_loop3A_426 : i32 to index
        %parallel_loop3A_461 = arith.index_cast %parallel_loop3A_444 : i32 to index
        %parallel_loop3A_462 = tpu.vector_load %arg7[%parallel_loop3A_459, %parallel_loop3A_460, %parallel_loop3A_461] {strides = array<i32>} : memref<2x16x1024xf32, #tpu.memory_space<vmem>>, vector<1x1x16xf32>,
        %parallel_loop3A_463 = vector.shape_cast %parallel_loop3A_462 : vector<1x1x16xf32> to vector<16xf32>
        %parallel_loop3A_464 = vector.shape_cast %parallel_loop3A_457 : vector<16xf32> to vector<1x1x16xf32>
        tpu.vector_store %arg7[%parallel_loop3A_459, %parallel_loop3A_460, %parallel_loop3A_461], %parallel_loop3A_464 {strides = array<i32>} : memref<2x16x1024xf32, #tpu.memory_space<vmem>>, vector<1x1x16xf32>,
      } {sc.loop_unroll_factor = 8 : i64, sc.parallel_access}
      %mul3A_373 = arith.constant 16 : i32
      %mul3A_374 = arith.muli %add3A_319, %mul3A_373 : i32
      %add3A_375 = arith.addi %mul3A_32, %mul3A_374 : i32
      %dma_start3A_376 = arith.constant 1 : i32
      %dma_start3A_377 = arith.constant 1 : i32
      %dma_start3A_378 = arith.constant 0 : i32
      %dma_start3A_379 = arith.constant 0 : i32
      %dma_start3A_380 = tpu.memref_slice %arg7[%dma_start3A_376, %dma_start3A_378, %dma_start3A_379] : memref<2x16x1024xf32, #tpu.memory_space<vmem>> -> memref<1x16x1024xf32, #tpu.memory_space<vmem>>
      %dma_start3A_381 = tpu.memref_squeeze %dma_start3A_380 : memref<1x16x1024xf32, #tpu.memory_space<vmem>> -> memref<16x1024xf32, #tpu.memory_space<vmem>>
      %dma_start3A_382 = arith.constant 0 : i32
      %dma_start3A_383 = tpu.memref_slice %arg4[%select_n3A, %add3A_375, %dma_start3A_382] : memref<4x8192x1024xf32, #tpu.memory_space<hbm>> -> memref<1x16x1024xf32, #tpu.memory_space<hbm>>
      %dma_start3A_384 = tpu.memref_squeeze %dma_start3A_383 : memref<1x16x1024xf32, #tpu.memory_space<hbm>> -> memref<16x1024xf32, #tpu.memory_space<hbm>>
      %dma_start3A_385 = tpu.memref_slice %arg11[%dma_start3A_377] : memref<2x!tpu.dma_semaphore, #tpu.memory_space<semaphore_mem>> -> memref<1x!tpu.dma_semaphore, #tpu.memory_space<semaphore_mem>>
      %dma_start3A_386 = tpu.memref_squeeze %dma_start3A_385 : memref<1x!tpu.dma_semaphore, #tpu.memory_space<semaphore_mem>> -> memref<!tpu.dma_semaphore, #tpu.memory_space<semaphore_mem>>
      %dma_start3A_387 = arith.constant 0 : i32
      %dma_start3A_388 = tpu.memref_slice %arg4[%select_n3A, %add3A_375, %dma_start3A_387] : memref<4x8192x1024xf32, #tpu.memory_space<hbm>> -> memref<1x16x1024xf32, #tpu.memory_space<hbm>>
      %dma_start3A_389 = tpu.memref_squeeze %dma_start3A_388 : memref<1x16x1024xf32, #tpu.memory_space<hbm>> -> memref<16x1024xf32, #tpu.memory_space<hbm>>
      %dma_start3A_390 = arith.constant 0 : i32
      %dma_start3A_391 = arith.constant 0 : i32
      %dma_start3A_392 = tpu.memref_slice %arg7[%dma_start3A_376, %dma_start3A_390, %dma_start3A_391] : memref<2x16x1024xf32, #tpu.memory_space<vmem>> -> memref<1x16x1024xf32, #tpu.memory_space<vmem>>
      %dma_start3A_393 = tpu.memref_squeeze %dma_start3A_392 : memref<1x16x1024xf32, #tpu.memory_space<vmem>> -> memref<16x1024xf32, #tpu.memory_space<vmem>>
      tpu.enqueue_dma source(%dma_start3A_393 : memref<16x1024xf32, #tpu.memory_space<vmem>>) target(%dma_start3A_389 : memref<16x1024xf32, #tpu.memory_space<hbm>>) target_semaphore(%dma_start3A_386 : memref<!tpu.dma_semaphore, #tpu.memory_space<semaphore_mem>>)
      %add3A_394 = arith.constant 2 : i32
      %add3A_395 = arith.addi %add3A_319, %add3A_394 : i32
      %lt3A_396 = arith.constant 64 : i32
      %lt3A_397 = arith.cmpi slt, %add3A_395, %lt3A_396 : i32
      %convert_element_type3A_398 = arith.extui %lt3A_397 : i1 to i32
      %cond3A_399 = arith.constant 0 : i32
      %cond3A_400 = arith.cmpi ne, %convert_element_type3A_398, %cond3A_399 : i32
      scf.if %cond3A_400 {
        %add3A_402 = arith.constant 2 : i32
        %add3A_403 = arith.addi %add3A_319, %add3A_402 : i32
        %mul3A_404 = arith.constant 16 : i32
        %mul3A_405 = arith.muli %add3A_403, %mul3A_404 : i32
        %add3A_406 = arith.addi %mul3A_32, %mul3A_405 : i32
        %dma_start3A_407 = arith.constant 1 : i32
        %dma_start3A_408 = arith.constant 1 : i32
        %dma_start3A_409 = arith.constant 0 : i32
        %dma_start3A_410 = arith.constant 0 : i32
        %dma_start3A_411 = tpu.memref_slice %arg5[%dma_start3A_407, %dma_start3A_409, %dma_start3A_410] : memref<2x16x1024xf32, #tpu.memory_space<vmem>> -> memref<1x16x1024xf32, #tpu.memory_space<vmem>>
        %dma_start3A_412 = tpu.memref_squeeze %dma_start3A_411 : memref<1x16x1024xf32, #tpu.memory_space<vmem>> -> memref<16x1024xf32, #tpu.memory_space<vmem>>
        %dma_start3A_413 = arith.constant 0 : i32
        %dma_start3A_414 = tpu.memref_slice %arg2[%select_n3A, %add3A_406, %dma_start3A_413] : memref<4x8192x1024xf32, #tpu.memory_space<hbm>> -> memref<1x16x1024xf32, #tpu.memory_space<hbm>>
        %dma_start3A_415 = tpu.memref_squeeze %dma_start3A_414 : memref<1x16x1024xf32, #tpu.memory_space<hbm>> -> memref<16x1024xf32, #tpu.memory_space<hbm>>
        %dma_start3A_416 = tpu.memref_slice %arg9[%dma_start3A_408] : memref<2x!tpu.dma_semaphore, #tpu.memory_space<semaphore_mem>> -> memref<1x!tpu.dma_semaphore, #tpu.memory_space<semaphore_mem>>
        %dma_start3A_417 = tpu.memref_squeeze %dma_start3A_416 : memref<1x!tpu.dma_semaphore, #tpu.memory_space<semaphore_mem>> -> memref<!tpu.dma_semaphore, #tpu.memory_space<semaphore_mem>>
        %dma_start3A_418 = arith.constant 0 : i32
        %dma_start3A_419 = arith.constant 0 : i32
        %dma_start3A_420 = tpu.memref_slice %arg5[%dma_start3A_407, %dma_start3A_418, %dma_start3A_419] : memref<2x16x1024xf32, #tpu.memory_space<vmem>> -> memref<1x16x1024xf32, #tpu.memory_space<vmem>>
        %dma_start3A_421 = tpu.memref_squeeze %dma_start3A_420 : memref<1x16x1024xf32, #tpu.memory_space<vmem>> -> memref<16x1024xf32, #tpu.memory_space<vmem>>
        %dma_start3A_422 = arith.constant 0 : i32
        %dma_start3A_423 = tpu.memref_slice %arg2[%select_n3A, %add3A_406, %dma_start3A_422] : memref<4x8192x1024xf32, #tpu.memory_space<hbm>> -> memref<1x16x1024xf32, #tpu.memory_space<hbm>>
        %dma_start3A_424 = tpu.memref_squeeze %dma_start3A_423 : memref<1x16x1024xf32, #tpu.memory_space<hbm>> -> memref<16x1024xf32, #tpu.memory_space<hbm>>
        tpu.enqueue_dma source(%dma_start3A_424 : memref<16x1024xf32, #tpu.memory_space<hbm>>) target(%dma_start3A_421 : memref<16x1024xf32, #tpu.memory_space<vmem>>) target_semaphore(%dma_start3A_417 : memref<!tpu.dma_semaphore, #tpu.memory_space<semaphore_mem>>)
      } else {
      }
      %scan3A_401 = arith.constant 0 : i32
      scf.yield %scan3A_401 : i32
    }
    %scan3A_80 = arith.constant 32 : i32
    %add3A_81 = arith.constant 992 : i32
    %add3A_82 = arith.addi %mul3A_32, %add3A_81 : i32
    %dma_wait3A = arith.constant 0 : i32
    %dma_wait3A_83 = arith.constant 0 : i32
    %dma_wait3A_84 = arith.constant 0 : i32
    %dma_wait3A_85 = arith.constant 0 : i32
    %dma_wait3A_86 = tpu.memref_slice %arg7[%dma_wait3A, %dma_wait3A_84, %dma_wait3A_85] : memref<2x16x1024xf32, #tpu.memory_space<vmem>> -> memref<1x16x1024xf32, #tpu.memory_space<vmem>>
    %dma_wait3A_87 = tpu.memref_squeeze %dma_wait3A_86 : memref<1x16x1024xf32, #tpu.memory_space<vmem>> -> memref<16x1024xf32, #tpu.memory_space<vmem>>
    %dma_wait3A_88 = arith.constant 0 : i32
    %dma_wait3A_89 = tpu.memref_slice %arg4[%select_n3A, %add3A_82, %dma_wait3A_88] : memref<4x8192x1024xf32, #tpu.memory_space<hbm>> -> memref<1x16x1024xf32, #tpu.memory_space<hbm>>
    %dma_wait3A_90 = tpu.memref_squeeze %dma_wait3A_89 : memref<1x16x1024xf32, #tpu.memory_space<hbm>> -> memref<16x1024xf32, #tpu.memory_space<hbm>>
    %dma_wait3A_91 = tpu.memref_slice %arg11[%dma_wait3A_83] : memref<2x!tpu.dma_semaphore, #tpu.memory_space<semaphore_mem>> -> memref<1x!tpu.dma_semaphore, #tpu.memory_space<semaphore_mem>>
    %dma_wait3A_92 = tpu.memref_squeeze %dma_wait3A_91 : memref<1x!tpu.dma_semaphore, #tpu.memory_space<semaphore_mem>> -> memref<!tpu.dma_semaphore, #tpu.memory_space<semaphore_mem>>
    %dma_wait3A_93 = arith.constant 0 : i32
    %dma_wait3A_94 = tpu.memref_slice %arg4[%select_n3A, %add3A_82, %dma_wait3A_93] : memref<4x8192x1024xf32, #tpu.memory_space<hbm>> -> memref<1x16x1024xf32, #tpu.memory_space<hbm>>
    %dma_wait3A_95 = tpu.memref_squeeze %dma_wait3A_94 : memref<1x16x1024xf32, #tpu.memory_space<hbm>> -> memref<16x1024xf32, #tpu.memory_space<hbm>>
    %dma_wait3A_96 = arith.constant 0 : i32
    %dma_wait3A_97 = arith.constant 0 : i32
    %dma_wait3A_98 = tpu.memref_slice %arg7[%dma_wait3A, %dma_wait3A_96, %dma_wait3A_97] : memref<2x16x1024xf32, #tpu.memory_space<vmem>> -> memref<1x16x1024xf32, #tpu.memory_space<vmem>>
    %dma_wait3A_99 = tpu.memref_squeeze %dma_wait3A_98 : memref<1x16x1024xf32, #tpu.memory_space<vmem>> -> memref<16x1024xf32, #tpu.memory_space<vmem>>
    tpu.wait_dma2 semaphore(%dma_wait3A_92 : memref<!tpu.dma_semaphore, #tpu.memory_space<semaphore_mem>>) src(%dma_wait3A_99 : memref<16x1024xf32, #tpu.memory_space<vmem>>) dst(%dma_wait3A_95 : memref<16x1024xf32, #tpu.memory_space<hbm>>)
    %add3A_100 = arith.constant 1008 : i32
    %add3A_101 = arith.addi %mul3A_32, %add3A_100 : i32
    %dma_wait3A_102 = arith.constant 1 : i32
    %dma_wait3A_103 = arith.constant 1 : i32
    %dma_wait3A_104 = arith.constant 0 : i32
    %dma_wait3A_105 = arith.constant 0 : i32
    %dma_wait3A_106 = tpu.memref_slice %arg7[%dma_wait3A_102, %dma_wait3A_104, %dma_wait3A_105] : memref<2x16x1024xf32, #tpu.memory_space<vmem>> -> memref<1x16x1024xf32, #tpu.memory_space<vmem>>
    %dma_wait3A_107 = tpu.memref_squeeze %dma_wait3A_106 : memref<1x16x1024xf32, #tpu.memory_space<vmem>> -> memref<16x1024xf32, #tpu.memory_space<vmem>>
    %dma_wait3A_108 = arith.constant 0 : i32
    %dma_wait3A_109 = tpu.memref_slice %arg4[%select_n3A, %add3A_101, %dma_wait3A_108] : memref<4x8192x1024xf32, #tpu.memory_space<hbm>> -> memref<1x16x1024xf32, #tpu.memory_space<hbm>>
    %dma_wait3A_110 = tpu.memref_squeeze %dma_wait3A_109 : memref<1x16x1024xf32, #tpu.memory_space<hbm>> -> memref<16x1024xf32, #tpu.memory_space<hbm>>
    %dma_wait3A_111 = tpu.memref_slice %arg11[%dma_wait3A_103] : memref<2x!tpu.dma_semaphore, #tpu.memory_space<semaphore_mem>> -> memref<1x!tpu.dma_semaphore, #tpu.memory_space<semaphore_mem>>
    %dma_wait3A_112 = tpu.memref_squeeze %dma_wait3A_111 : memref<1x!tpu.dma_semaphore, #tpu.memory_space<semaphore_mem>> -> memref<!tpu.dma_semaphore, #tpu.memory_space<semaphore_mem>>
    %dma_wait3A_113 = arith.constant 0 : i32
    %dma_wait3A_114 = tpu.memref_slice %arg4[%select_n3A, %add3A_101, %dma_wait3A_113] : memref<4x8192x1024xf32, #tpu.memory_space<hbm>> -> memref<1x16x1024xf32, #tpu.memory_space<hbm>>
    %dma_wait3A_115 = tpu.memref_squeeze %dma_wait3A_114 : memref<1x16x1024xf32, #tpu.memory_space<hbm>> -> memref<16x1024xf32, #tpu.memory_space<hbm>>
    %dma_wait3A_116 = arith.constant 0 : i32
    %dma_wait3A_117 = arith.constant 0 : i32
    %dma_wait3A_118 = tpu.memref_slice %arg7[%dma_wait3A_102, %dma_wait3A_116, %dma_wait3A_117] : memref<2x16x1024xf32, #tpu.memory_space<vmem>> -> memref<1x16x1024xf32, #tpu.memory_space<vmem>>
    %dma_wait3A_119 = tpu.memref_squeeze %dma_wait3A_118 : memref<1x16x1024xf32, #tpu.memory_space<vmem>> -> memref<16x1024xf32, #tpu.memory_space<vmem>>
    tpu.wait_dma2 semaphore(%dma_wait3A_112 : memref<!tpu.dma_semaphore, #tpu.memory_space<semaphore_mem>>) src(%dma_wait3A_119 : memref<16x1024xf32, #tpu.memory_space<vmem>>) dst(%dma_wait3A_115 : memref<16x1024xf32, #tpu.memory_space<hbm>>)
    return
  }
}

</mosaic_0001>

<sc_bundles>
// kernel: kernel.3.cloned.1.call-start
scs
__scs_entry_jumppad:
0x0: {  	(pc) =	sbr.rel $0x88, $3  }
0x1: {  	(tag) =	ssettag $0x0;
	lr =	simm.s32 $0x1  }
0x2: {  	[smem:$0x3F9F] =	sst lr;
	_ =	strace $0xD0000000  }
0x3: {  	_ = 	snop  }
0x4: {  	_ = 	snop  }
0x5: {  	_ = 	snop  }
0x6: {  	_ = 	snop  }
0x7: {  	_ = 	snop  }
__scs_overlays_trampoline_lowered:
0x8: {  	[smem:$0x3FAE] =	sst s0  }
0x9: {  	[smem:$0x3FAF] =	sst s1  }
0xa: {  	[smem:$0x3FB0] =	sst s2  }
0xb: {  	[smem:$0x3FB1] =	sst s3  }
0xc: {  	[smem:$0x3FB2] =	sst s4  }
0xd: {  	[smem:$0x3FB3] =	sst s5  }
0xe: {  	[smem:$0x3FB4] =	sst s6  }
0xf: {  	[smem:$0x3FB5] =	sst s7  }
0x10: {  	[smem:$0x3FB6] =	sst s8  }
0x11: {  	[smem:$0x3FB7] =	sst s9;
	s0 =	simm.s32 @!p0 $0x0  }
0x12: {  	s1 =	sld [smem:$0x3F9D];
	s0 =	simm.s32 @p0 $0x1  }
0x13: {  	[smem:$0x3FB8] =	sst s0;
	s0 =	simm.s32 @!p1 $0x0  }
0x14: {  	s2 =	sld [smem:$0x3F9C];
	s0 =	simm.s32 @p1 $0x1  }
0x15: {  	[smem:$0x3FB9] =	sst s0;
	s0 =	simm.s32 @!p2 $0x0  }
0x16: {  	s3 =	sld [smem:$0x3FDB];
	s0 =	simm.s32 @p2 $0x1  }
0x17: {  	s4 =	simm.s32 $0x1BF5;
	[smem:$0x3FBB] =	sst s0  }
0x18: {  	s0 =	sld [smem:$0x3F9E];
	_ =	swait.ge [sflag:s4], $0x0  }
0x19: {  	s7 =	sld [smem:$0x3F9F]  }
0x1a: {  	s8 =	sadd.s32 $0xFFFFE003, lr  }
0x1b: {  	s9 =	sadd.s32 $0xFFFFFEF7, lr;
	s5 =	simm.s32 $0xFFFFFFFF;
	p2 =	slt.u32 s8, $0xFFFFF086  }
0x1c: {  	p1 =	slt.u32 s9, $0xF7A;
	s5 =	simm.s32 @!p2 $0x0  }
0x1d: {  	s5 =	simm.s32 @p1 $0x1;
	p0 =	seq.s32 s7, s2  }
0x1e: {  	s7 =	smul.u32 @!p0 $0xF7A, s2;
	p2 =	seq.s32 @!p0 s5, $0x0  }
0x1f: {  	s9 =	smul.u32 $0xF7A, s1;
	s8 =	simm.s32 @!p0 $0x1BF5;
	p2 =	por !p2, p0  }
0x20: {  	[sflag:s8] =	ssyncset.s32 @!p0 $0xFFFFF086;
	s6 =	sadd.s32 @!p0 s3, s7;
	s7 =	simm.s32 @!p0 $0x108  }
0x21: {  	s3 =	sadd.s32 s3, s9;
	s6 =	sadd.s32 @!p0 $0x88, s6;
	s7 =	simm.s32 @p2 $0x1082  }
0x22: {  	[simem:s7], [sflag:s8] =	dma.local @!p0 [hbm:s6], $0xF7A  }
0x23: {  	s9 =	sor.u32 $0xD0000000, s2;
	s6 =	simm.s32 $0x108;
	_ =	swait.ge @!p0 [sflag:s8], $0x0  }
0x24: {  	s3 =	sadd.s32 $0x88, s3;
	s6 =	simm.s32 @!p1 $0x1082;
	[sflag:s4] =	ssyncset.s32 $0xFFFFF086  }
0x25: {  	[simem:s6], [sflag:s4] =	dma.local [hbm:s3], $0xF7A  }
0x26: {  	[smem:$0x3F9F] =	sst s1;
	(tag) =	ssettag s2;
	_ =	strace s9  }
0x27: {  	s1 =	sld [smem:$0x3FAF]  }
0x28: {  	s2 =	sld [smem:$0x3FB0]  }
0x29: {  	s4 =	sld [smem:$0x3FB2]  }
0x2a: {  	p0 =	seq.s32 s5, $0x0;
	s5 =	sld [smem:$0x3FB3]  }
0x2b: {  	s6 =	sld [smem:$0x3FB4]  }
0x2c: {  	s7 =	sld [smem:$0x3FB5]  }
0x2d: {  	s3 =	simm.s32 $0x108;
	s8 =	sld [smem:$0x3FB6]  }
0x2e: {  	s3 =	simm.s32 @!p0 $0x1082;
	s9 =	sld [smem:$0x3FB7]  }
0x2f: {  	lr =	sadd.s32 s0, s3;
	s0 =	sld [smem:$0x3FAE]  }
0x30: {  	s3 =	sld [smem:$0x3FB1]  }
0x31: {  	[smem:$0x3FBA] =	sst s10  }
0x32: {  	s10 =	sld [smem:$0x3FB8];
	_ =	sdelay $0x3  }
0x33: {  	p0 =	seq.s32 s10, $0x1;
	s10 =	sld [smem:$0x3FBA];
	_ =	sdelay $0x3  }
0x34: {  	[smem:$0x3FBA] =	sst s10  }
0x35: {  	s10 =	sld [smem:$0x3FB9];
	_ =	sdelay $0x3  }
0x36: {  	p1 =	seq.s32 s10, $0x1;
	s10 =	sld [smem:$0x3FBA];
	_ =	sdelay $0x3  }
0x37: {  	[smem:$0x3FBA] =	sst s10  }
0x38: {  	s10 =	sld [smem:$0x3FBB]  }
0x39: {  	_ = 	snop;
	(pc) =	sbr.ind lr, $3  }
0x3a: {  	_ = 	snop  }
0x3b: {  	_ = 	snop  }
0x3c: {  	p2 =	seq.s32 s10, $0x1;
	s10 =	sld [smem:$0x3FBA]  }
0x3d: {  	_ =	shalt  }
0x3e: {  	_ =	shalt  }
0x3f: {  	_ =	shalt  }
0x40: {  	_ =	shalt  }
0x41: {  	_ =	shalt  }
0x42: {  	_ =	shalt  }
0x43: {  	_ =	shalt  }
0x44: {  	_ =	shalt  }
0x45: {  	_ =	shalt  }
0x46: {  	_ =	shalt  }
0x47: {  	_ =	shalt  }
0x48: {  	_ =	shalt  }
0x49: {  	_ =	shalt  }
0x4a: {  	_ =	shalt  }
0x4b: {  	_ =	shalt  }
0x4c: {  	_ =	shalt  }
0x4d: {  	_ =	shalt  }
0x4e: {  	_ =	shalt  }
0x4f: {  	_ =	shalt  }
0x50: {  	_ =	shalt  }
0x51: {  	_ =	shalt  }
0x52: {  	_ =	shalt  }
0x53: {  	_ =	shalt  }
0x54: {  	_ =	shalt  }
0x55: {  	_ =	shalt  }
0x56: {  	_ =	shalt  }
0x57: {  	_ =	shalt  }
0x58: {  	_ =	shalt  }
0x59: {  	_ =	shalt  }
0x5a: {  	_ =	shalt  }
0x5b: {  	_ =	shalt  }
0x5c: {  	_ =	shalt  }
0x5d: {  	_ =	shalt  }
0x5e: {  	_ =	shalt  }
0x5f: {  	_ =	shalt  }
0x60: {  	_ =	shalt  }
0x61: {  	_ =	shalt  }
0x62: {  	_ =	shalt  }
0x63: {  	_ =	shalt  }
0x64: {  	_ =	shalt  }
0x65: {  	_ =	shalt  }
0x66: {  	_ =	shalt  }
0x67: {  	_ =	shalt  }
0x68: {  	_ =	shalt  }
0x69: {  	_ =	shalt  }
0x6a: {  	_ =	shalt  }
0x6b: {  	_ =	shalt  }
0x6c: {  	_ =	shalt  }
0x6d: {  	_ =	shalt  }
0x6e: {  	_ =	shalt  }
0x6f: {  	_ =	shalt  }
0x70: {  	_ =	shalt  }
0x71: {  	_ =	shalt  }
0x72: {  	_ =	shalt  }
0x73: {  	_ =	shalt  }
0x74: {  	_ =	shalt  }
0x75: {  	_ =	shalt  }
0x76: {  	_ =	shalt  }
0x77: {  	_ =	shalt  }
0x78: {  	_ =	shalt  }
0x79: {  	_ =	shalt  }
0x7a: {  	_ =	shalt  }
0x7b: {  	_ =	shalt  }
0x7c: {  	_ =	shalt  }
0x7d: {  	_ =	shalt  }
0x7e: {  	_ =	shalt  }
0x7f: {  	_ =	shalt  }
0x80: {  	_ =	shalt  }
0x81: {  	_ =	shalt  }
0x82: {  	_ =	shalt  }
0x83: {  	_ =	shalt  }
0x84: {  	_ =	shalt  }
0x85: {  	_ =	shalt  }
0x86: {  	_ =	shalt  }
0x87: {  	_ =	shalt  }
.Lfunc_end0:
.L_simem_size_0:
called_computation_lowered:
.L_overlay_start_0:
0x88: {  	s2 =	sld [smem:$0x3FD9]  }
0x89: {  	s3 =	sld [smem:$0x3FFE];
	_ =	sdelay $0x1  }
0x8a: {  	s1 =	srdreg.scid  }
0x8b: {  	s0 =	sand.u32 $0x1, s1  }
0x8c: {  	s18 =	sshll.u32 s0, $0xA;
	s2 =	sadd.s32 s3, s2  }
0x8d: {  	s2 =	sadd.s32 s2, s18  }
0x8e: {  	[smem:$0x3FC6] =	sst s2  }
0x8f: {  	_ = 	snop  }
0x90: {  	s2 =	sld [smem:$0x3FC9]  }
0x91: {  	s19 =	sld [smem:$0x3FC8]  }
0x92: {  	s4 =	sld [smem:$0x3FD0];
	(tm) =	ssettm $0x1  }
0x93: {  	s5 =	sld [smem:$0x3FFB];
	_ =	sdelay $0x3  }
0x94: {  	_ =	strace s5  }
0x95: {  	s5 =	sld [smem:$0x3FFC];
	_ =	sdelay $0x3  }
0x96: {  	_ =	strace s5  }
0x97: {  	s5 =	sld [smem:$0x3FFD];
	_ =	sdelay $0x3  }
0x98: {  	_ =	strace s5  }
0x99: {  	_ =	strace $0x8FFFFFFF  }
0x9a: {  	s20 =	sld [smem:$0x3FDB];
	_ =	sdelay $0x1  }
0x9b: {  	s6 =	simm.s32 $_scs_section_size  }
0x9c: {  	s7 =	simm.s32 $_size__tile_overlayer_lowered;
	s8 =	simm.s32 $_tile_overlayer_lowered  }
0x9d: {  	s23 =	simm.s32 $0x1BFF;
	s22 =	sshll.u32 s8, $0x1;
	s5 =	sadd.s32 s6, s20  }
0x9e: {  	s9 =	simm.s32 $0x0;
	s21 =	sshll.u32 s7, $0x1;
	s7 =	sadd.s32 s22, s5  }
0x9f: {  	[timem:s9], [sflag:s23] =	dma.local [hbm:s7], s21  }
0xa0: {  	_ =	swait.ge [sflag:s23], s21  }
0xa1: {  	s6 =	ssub.s32 $0x0, s21;
	[sflag:s23] =	ssyncset.done $0x0  }
0xa2: {  	[sflag:s23] =	ssyncadd.s32 s6;
	_ =	sdelay $0x1  }
0xa3: {  	s24 =	simm.s32 $0x1B8B  }
0xa4: {  	_ =	swait.ge [sflag:s24], $0x1  }
0xa5: {  	[sflag:s24] =	ssyncset.done $0x0  }
0xa6: {  	s25 =	simm.s32 $0x1B8E;
	[sflag:s24] =	ssyncadd.s32 $0xFFFFFFFF  }
0xa7: {  	s26 =	simm.s32 $execute0_lowered;
	[smem:$0x3FD2] =	sst s25  }
0xa8: {  	s6 =	sshll.u32 s26, $0x1;
	_ =	strace $0x80000046;
	[dreg:$0x1] =	wrdreg $0xFFFFFFFF  }
0xa9: {  	s28 =	simm.s32 $_size_execute0_lowered;
	s5 =	sadd.s32 s5, s6;
	[dreg:$0x0] =	wrdreg $0x0  }
0xaa: {  	s6 =	sshll.u32 s28, $0x1;
	[dreg:$0x2] =	wrdreg s5  }
0xab: {  	[dreg:$0x3] =	wrdreg s6  }
0xac: {  	[dreg:$0x4] =	wrdreg $0xC0  }
0xad: {  	_ =	task [dreg:s9], $0x5FFFF  }
0xae: {  	[dreg:$0x1] =	wrdreg $0xFFFFFFFF  }
0xaf: {  	[dreg:$0x0] =	wrdreg $0x60  }
0xb0: {  	[dreg:$0x2] =	wrdreg s2  }
0xb1: {  	[dreg:$0x3] =	wrdreg s19  }
0xb2: {  	[dreg:$0x4] =	wrdreg s4  }
0xb3: {  	[dreg:$0x5] =	wrdreg $0x180000  }
0xb4: {  	[dreg:$0x6] =	wrdreg $0x9  }
0xb5: {  	_ =	task.clear_ibuf [dreg:s9], $0x7FFFF;
	_ =	strace $0x90000046  }
0xb6: {  	s29 =	simm.s32 $0x9;
	_ =	strace $0x80000048  }
0xb7: {  	_ =	swait.ge [sflag:s29], $0x1  }
0xb8: {  	[sflag:s29] =	ssyncadd.s32 $0xFFFFFFFF  }
0xb9: {  	_ =	strace $0x90000048  }
0xba: {  	_ =	sfence  }
0xbb: {  	s30 =	sld [smem:$0x0];
	_ =	sdelay $0x2  }
0xbc: {  	s31 =	sshll.u32 s1, $0xD;
	s1 =	sshrl.u32 s1, $0x2  }
0xbd: {  	s3 =	sand.u32 $0x4000, s31;
	s1 =	sadd.s32 s1, s30  }
0xbe: {  	s0 =	sor.u32 s3, s0;
	s1 =	sshll.u32 s1, $0x11  }
0xbf: {  	s0 =	sor.u32 s1, s0  }
0xc0: {  	s0 =	sadd.s32 $0x8F2B, s0  }
0xc1: {  	[sflag:s0] =	ssyncadd.remote.s32 $0x1  }
0xc2: {  	_ =	sfence.sel $0xFFFF  }
0xc3: {  	[dreg:$0x0] =	wrdreg $0xFFFFFFFF;
	(pc) =	sbr.abs _section_cstart, $3  }
0xc4: {  	[dreg:$0x1] =	wrdreg $0xFFFFFFFF  }
0xc5: {  	_ =	task.clear_ibuf [dreg:s9], $0x2FFFF;
	_ =	strace $0x9FFFFFFF  }
0xc6: {  	(tm) =	ssettm $0x7FFFFFFF  }
0xc7: {  	_ =	shalt  }
tec
execute0_lowered:
.L_overlay_start_1:
0x0: {  	(tag) =	ssettag $0x1  }
0x1: {  	s1 =	rddreg [dreg:$0x0]  }
0x2: {  	s2 =	rddreg [dreg:$0x1]  }
0x3: {  	s3 =	rddreg [dreg:$0x2]  }
0x4: {  	s5 =	srdreg.scid;
	s0 =	stileid.u32  }
0x5: {  	s4 =	rddreg [dreg:$0x3];
	s28 =	simm.s32 $0x10000;
	s29 =	simm.s32 $0x4  }
0x6: {  	s30 =	simm.s32 $0x2;
	s31 =	simm.s32 $0x14000;
	s7 =	sand.u32 $0x1, s5  }
0x7: {  	s8 =	sand.u32 $0x3, s0;
	s5 =	simm.s32 $0x0;
	s6 =	sshrl.u32 s0, $0x2  }
0x8: {  	s25 =	sshll.u32 s0, $0x10;
	s9 =	sshll.u32 s7, $0xC;
	s10 =	sshll.u32 s8, $0xA  }
0x9: {  	[smem:$0x7FF] =	sst s5;
	s22 =	sshll.u32 s6, $0x17;
	s12 =	ssub.s32 $0x2, s7  }
0xa: {  	p0 =	sne.s32 s6, $0x0;
	s10 =	sor.u32 s9, s10;
	s13 =	sshrl.u32 s12, $0x1  }
0xb: {  	_ =	strace $0x80000047;
	s11 =	sshll.u32 s10, $0xA;
	s18 =	ssub.s32 s12, s13  }
0xc: {  	s10 =	sshll.u32 s10, $0x7;
	s13 =	sadd.s32 s25, s4;
	s25 =	simm.s32 $0x3  }
0xd: {  	s7 =	sor.u32 s22, s11;
	s11 =	sor.u32 $0x4000, s11;
	[dreg:$0x7] =	wrdreg s13  }
0xe: {  	s26 =	smax.u32 s18, $0x1;
	s14 =	sshrl.u32 s7, $0x3;
	s9 =	sor.u32 s22, s11  }
0xf: {  	s11 =	sshrl.u32 s11, $0x3;
	s16 =	sor.u32 $0x8000, s7;
	s17 =	sor.u32 $0xC000, s7  }
0x10: {  	[dreg:$0x9] =	wrdreg s26;
	s23 =	sadd.s32 s1, s14;
	s24 =	sshrl.u32 s9, $0x3  }
0x11: {  	s26 =	simm.s32 $0x1;
	[dreg:$0x5] =	wrdreg s23;
	s12 =	sadd.s32 s1, s24  }
0x12: {  	s23 =	simm.s32 $0x8000;
	s24 =	simm.s32 $0xC000;
	[dreg:$0x6] =	wrdreg s12  }
0x13: {  	s12 =	sadd.s32 s2, s10;
	s10 =	sadd.s32 $0x4000, s13;
	s2 =	sadd.s32 s2, s11  }
0x14: {  	s13 =	sshll.u32 s8, $0x10;
	[dreg:$0x8] =	wrdreg s2;
	s2 =	sshll.u32 @!p0 s0, $0x6  }
0x15: {  	s15 =	sadd.s32 s13, s4;
	[dreg:$0xa] =	wrdreg s2;
	s2 =	sshrl.u32 @!p0 s10, $0x3  }
0x16: {  	s19 =	sadd.s32 $0x800, s12;
	s10 =	simm.s32 $0x0;
	[dreg:$0xb] =	wrdreg s2  }
.LBB2_1:
0x17: {  	s2 =	rddreg [dreg:$0x5]  }
0x18: {  	s22 =	rddreg [dreg:$0x6]  }
0x19: {  	[tilespmem:s5], [sflag:$0x1] =	stream.linear.gather [hbm4b:s2+s5], $0x4000, $0x38;
	[tilespmem:$0x1C000] =	vst v63  }
0x1a: {  	s8 =	simm.s32 $0x4000;
	s2 =	rddreg [dreg:$0x7]  }
0x1b: {  	[tilespmem:s8], [sflag:$0x2] =	stream.linear.gather [hbm4b:s22+s5], $0x4000, $0x38;
	[tilespmem:$0x1C000] =	vst v63  }
0x1c: {  	s8 =	rddreg [dreg:$0xa]  }
0x1d: {  	[dreg:$0xc] =	wrdreg s10;
	s11 =	sshrl.u32 @!p0 s2, $0x3;
	s10 =	sor.u32 @!p0 $0x1C07, s8  }
0x1e: {  	[spmem:s11], [sflag:s10] =	dma.local @!p0 [hbm:s12], $0x800  }
0x1f: {  	s2 =	rddreg [dreg:$0x8]  }
0x20: {  	s14 =	simm.s32 $0x0;
	s10 =	sor.u32 @!p0 $0x1C08, s8;
	s8 =	rddreg [dreg:$0xb]  }
0x21: {  	[spmem:s8], [sflag:s10] =	dma.local @!p0 [hbm:s2], $0x800  }
.LBB2_2:
0x22: {  	s10 =	sand.u32 $0x3, s14  }
0x23: {  	p2 =	sne.s32 s6, s10  }
0x24: {  	s11 =	simm.s32 @!p2 $0x7  }
0x25: {  	_ =	swait.ge @!p2 [sflag:s11], $0x800  }
0x26: {  	[sflag:s11] =	ssyncset.done @!p2 $0x0  }
0x27: {  	s10 =	sadd.s32 $0x1, s14;
	[sflag:s11] =	ssyncadd.s32 @!p2 $0xFFFFF800;
	s11 =	simm.s32 @!p2 $0x8  }
0x28: {  	p1 =	seq.s32 s14, $0x1F;
	s18 =	sand.u32 $0x3, s10;
	_ =	swait.ge @!p2 [sflag:s11], $0x800  }
0x29: {  	p3 =	seq.s32 @!p1 s6, s18;
	s18 =	sand.u32 $0x1, s14;
	[sflag:s11] =	ssyncset.done @!p2 $0x0  }
0x2a: {  	[sflag:s11] =	ssyncadd.s32 @!p2 $0xFFFFF800;
	p2 =	por p1, !p3;
	s11 =	sshll.u32 s18, $0x11  }
0x2b: {  	s22 =	sshrl.u32 @!p2 s11, $0x2  }
0x2c: {  	[bflag:$0x0] =	sbarrier.arrive $0xFFFF;
	s22 =	sxor.u32 @!p2 $0x8000, s22  }
0x2d: {  	s2 =	sshll.u32 @!p2 s10, $0xC;
	s20 =	sshll.u32 @!p2 s0, $0x6;
	s22 =	sadd.s32 @!p2 s22, s15  }
0x2e: {  	s21 =	sadd.s32 @!p2 s2, s12;
	s8 =	sor.u32 @!p2 $0x1C07, s20;
	s22 =	sshrl.u32 @!p2 s22, $0x3  }
0x2f: {  	[spmem:s22], [sflag:s8] =	dma.local @!p2 [hbm:s21], $0x800  }
0x30: {  	s8 =	sshll.u32 @!p2 s18, $0xF  }
0x31: {  	s8 =	sor.u32 @!p2 s13, s8  }
0x32: {  	s8 =	sxor.u32 @!p2 $0xC000, s8  }
0x33: {  	s11 =	sshrl.u32 s11, $0x2;
	s8 =	sadd.s32 @!p2 s8, s4  }
0x34: {  	s2 =	sadd.s32 @!p2 s19, s2;
	s18 =	sor.u32 @!p2 $0x1C08, s20;
	s8 =	sshrl.u32 @!p2 s8, $0x3  }
0x35: {  	[spmem:s8], [sflag:s18] =	dma.local @!p2 [hbm:s2], $0x800  }
0x36: {  	s2 =	sadd.s32 s11, s15  }
0x37: {  	[tilespmem:s23], [sflag:$0x3] =	stream.linear.gather [spmem:s2], $0x4000, $0x38;
	[tilespmem:$0x1C000] =	vst v63  }
0x38: {  	s2 =	sadd.s32 $0x4000, s2  }
0x39: {  	[tilespmem:s24], [sflag:$0x4] =	stream.linear.gather [spmem:s2], $0x4000, $0x38;
	[tilespmem:$0x1C000] =	vst v63  }
0x3a: {  	_ =	swait.ge [sflag:s25], $0x4000  }
0x3b: {  	[sflag:s25] =	ssyncset.done $0x0  }
0x3c: {  	[sflag:s25] =	ssyncadd.s32 $0xFFFFC000  }
0x3d: {  	s21 =	simm.s32 $0x0;
	_ =	swait.ge [sflag:s26], $0x4000  }
0x3e: {  	p2 =	seq.s32 s14, $0x0;
	s11 =	simm.s32 $0x0;
	[sflag:s26] =	ssyncset.done $0x0  }
0x3f: {  	s18 =	simm.s32 $0x0;
	s2 =	simm.s32 @!p2 $0x5;
	[sflag:s26] =	ssyncadd.s32 $0xFFFFC000  }
0x40: {  	s8 =	sand.u32 $0x2000, s18;
	s20 =	sand.u32 $0x1C00, s11;
	_ =	swait.ge @!p2 [sflag:s2], $0x4000  }
0x41: {  	s22 =	sand.u32 $0x380, s21;
	s8 =	sor.u32 s20, s8;
	[sflag:s2] =	ssyncset.done @!p2 $0x0  }
0x42: {  	s18 =	sor.u32 s22, s8;
	[sflag:s2] =	ssyncadd.s32 @!p2 $0xFFFFC000  }
0x43: {  	v0 =	vld [tilespmem:s18+$0x70]  }
0x44: {  	v2 =	vld [tilespmem:s18+$0x8070]  }
0x45: {  	v3 =	vld [tilespmem:s18+$0x0]  }
0x46: {  	v5 =	vld [tilespmem:s18+$0x8000]  }
0x47: {  	v6 =	vld [tilespmem:s18+$0x10]  }
0x48: {  	v7 =	vld [tilespmem:s18+$0x8010]  }
0x49: {  	v1 =	vld [tilespmem:s18+$0x20]  }
0x4a: {  	v4 =	vld [tilespmem:s18+$0x8020];
	v2 =	vadd.f32 v2, v0  }
0x4b: {  	v5 =	vadd.f32 v5, v3;
	v0 =	vld [tilespmem:s18+$0x30]  }
0x4c: {  	v3 =	vld [tilespmem:s18+$0x8030];
	[tilespmem:s18+$0x10070] =	vst v2  }
0x4d: {  	s14 =	sshll.u32 s14, $0xF;
	s22 =	simm.s32 $0x0;
	[tilespmem:s18+$0x10000] =	vst v5;
	v5 =	vadd.f32 v7, v6;
	v2 =	vld [tilespmem:s18+$0x40]  }
.LBB2_3:
0x4e: {  	s22 =	sadd.s32 $0x8, s22;
	v6 =	vld [tilespmem:s18+$0x8040]  }
0x4f: {  	s11 =	sadd.s32 $0x400, s11;
	s2 =	sshll.u32 s22, $0x4;
	p3 =	slt.u32 s22, $0x3F8;
	[tilespmem:s18+$0x10010] =	vst v5;
	v1 =	vadd.f32 v4, v1;
	v4 =	vld [tilespmem:s18+$0x50]  }
0x50: {  	s8 =	sand.u32 $0x1C00, s11;
	s20 =	sshll.u32 s22, $0x1;
	s2 =	sand.u32 $0x2000, s2;
	v5 =	vld [tilespmem:s18+$0x8050]  }
0x51: {  	s2 =	sor.u32 s8, s2;
	s8 =	sand.u32 $0x380, s20;
	[tilespmem:s18+$0x10020] =	vst v1;
	v0 =	vadd.f32 v3, v0;
	v1 =	vld [tilespmem:s18+$0x60]  }
0x52: {  	s2 =	sor.u32 s8, s2;
	v3 =	vld [tilespmem:s18+$0x8060]  }
0x53: {  	v7 =	vld [tilespmem:s2+$0x70];
	[tilespmem:s18+$0x10030] =	vst v0;
	v0 =	vadd.f32 v6, v2  }
0x54: {  	v2 =	vld [tilespmem:s2+$0x8070]  }
0x55: {  	v6 =	vld [tilespmem:s2+$0x0];
	[tilespmem:s18+$0x10040] =	vst v0;
	v0 =	vadd.f32 v5, v4  }
0x56: {  	v5 =	vld [tilespmem:s2+$0x8000]  }
0x57: {  	v8 =	vld [tilespmem:s2+$0x10];
	[tilespmem:s18+$0x10050] =	vst v0;
	v0 =	vadd.f32 v3, v1  }
0x58: {  	v9 =	vld [tilespmem:s2+$0x8010]  }
.Ltmp0:
0x59: {  	v1 =	vld [tilespmem:s2+$0x20];
	v2 =	vadd.f32 v2, v7;
	[tilespmem:s18+$0x10060] =	vst v0;
	s18 =	smov.u32 s2;
	(pc) =	sbr.rel @p3 .LBB2_3-.Ltmp0, $4  }
0x5a: {  	v4 =	vld [tilespmem:s18+$0x8020]  }
0x5b: {  	v5 =	vadd.f32 v5, v6;
	v0 =	vld [tilespmem:s18+$0x30];
	[tilespmem:s18+$0x10070] =	vst v2  }
0x5c: {  	v3 =	vld [tilespmem:s18+$0x8030]  }
0x5d: {  	[tilespmem:s18+$0x10000] =	vst v5;
	v5 =	vadd.f32 v9, v8;
	v2 =	vld [tilespmem:s18+$0x40]  }
0x5e: {  	v6 =	vld [tilespmem:s18+$0x8040]  }
0x5f: {  	v7 =	vld [tilespmem:s18+$0x50]  }
0x60: {  	v8 =	vld [tilespmem:s18+$0x8050]  }
0x61: {  	v9 =	vld [tilespmem:s18+$0x60]  }
0x62: {  	v10 =	vld [tilespmem:s18+$0x8060]  }
0x63: {  	v1 =	vadd.f32 v4, v1  }
0x64: {  	[tilespmem:s18+$0x10010] =	vst v5;
	v0 =	vadd.f32 v3, v0  }
0x65: {  	[tilespmem:s18+$0x10020] =	vst v1;
	v1 =	vadd.f32 v6, v2  }
0x66: {  	[tilespmem:s18+$0x10030] =	vst v0;
	v0 =	vadd.f32 v8, v7  }
0x67: {  	s2 =	sor.u32 s14, s7;
	[tilespmem:s18+$0x10040] =	vst v1;
	v1 =	vadd.f32 v10, v9  }
0x68: {  	s2 =	sshrl.u32 s2, $0x3;
	[tilespmem:s18+$0x10050] =	vst v0  }
0x69: {  	s2 =	sadd.s32 s3, s2;
	[tilespmem:s18+$0x10060] =	vst v1  }
0x6a: {  	[hbm4b:s2+s5] =	stream.linear.scatter [tilespmem:s28], [sflag:$0x5], $0x4000, $0x38;
	[tilespmem:$0x1C000] =	vst v63  }
0x6b: {  	s2 =	sadd.s32 @!p1 s14, s16  }
0x6c: {  	s2 =	sshrl.u32 @!p1 s2, $0x3  }
0x6d: {  	s8 =	simm.s32 @!p1 $0x0;
	s2 =	sadd.s32 @!p1 s1, s2  }
0x6e: {  	[tilespmem:s8], [sflag:$0x1] =	stream.linear.gather @!p1 [hbm4b:s2+s8], $0x4000, $0x38;
	[tilespmem:$0x1C000] =	vst v63  }
0x6f: {  	_ =	swait.ge [sflag:s29], $0x4000  }
0x70: {  	[sflag:s29] =	ssyncset.done $0x0  }
0x71: {  	[sflag:s29] =	ssyncadd.s32 $0xFFFFC000  }
0x72: {  	_ =	swait.ge [sflag:s30], $0x4000  }
0x73: {  	s11 =	simm.s32 $0x0;
	s20 =	simm.s32 $0x0;
	[sflag:s30] =	ssyncset.done $0x0  }
0x74: {  	s21 =	sand.u32 $0x1C00, s11;
	s2 =	simm.s32 @!p2 $0x6;
	[sflag:s30] =	ssyncadd.s32 $0xFFFFC000  }
0x75: {  	s8 =	sand.u32 $0x2000, s20;
	s20 =	simm.s32 $0x0;
	_ =	swait.ge @!p2 [sflag:s2], $0x4000  }
0x76: {  	s8 =	sor.u32 s21, s8;
	s22 =	sand.u32 $0x380, s20;
	[sflag:s2] =	ssyncset.done @!p2 $0x0  }
0x77: {  	s18 =	sor.u32 s22, s8;
	[sflag:s2] =	ssyncadd.s32 @!p2 $0xFFFFC000  }
0x78: {  	v0 =	vld [tilespmem:s18+$0x4070]  }
0x79: {  	v2 =	vld [tilespmem:s18+$0xC070]  }
0x7a: {  	v3 =	vld [tilespmem:s18+$0x4000]  }
0x7b: {  	v5 =	vld [tilespmem:s18+$0xC000]  }
0x7c: {  	v6 =	vld [tilespmem:s18+$0x4010]  }
0x7d: {  	v7 =	vld [tilespmem:s18+$0xC010]  }
0x7e: {  	v1 =	vld [tilespmem:s18+$0x4020]  }
0x7f: {  	v4 =	vld [tilespmem:s18+$0xC020];
	v2 =	vadd.f32 v2, v0  }
0x80: {  	v5 =	vadd.f32 v5, v3;
	v0 =	vld [tilespmem:s18+$0x4030]  }
0x81: {  	v3 =	vld [tilespmem:s18+$0xC030];
	[tilespmem:s18+$0x14070] =	vst v2  }
0x82: {  	s22 =	simm.s32 $0x0;
	[tilespmem:s18+$0x14000] =	vst v5;
	v5 =	vadd.f32 v7, v6;
	v2 =	vld [tilespmem:s18+$0x4040]  }
.LBB2_5:
0x83: {  	s22 =	sadd.s32 $0x8, s22;
	v6 =	vld [tilespmem:s18+$0xC040]  }
0x84: {  	s11 =	sadd.s32 $0x400, s11;
	s2 =	sshll.u32 s22, $0x4;
	p2 =	slt.u32 s22, $0x3F8;
	[tilespmem:s18+$0x14010] =	vst v5;
	v1 =	vadd.f32 v4, v1;
	v4 =	vld [tilespmem:s18+$0x4050]  }
0x85: {  	s8 =	sand.u32 $0x1C00, s11;
	s20 =	sshll.u32 s22, $0x1;
	s2 =	sand.u32 $0x2000, s2;
	v5 =	vld [tilespmem:s18+$0xC050]  }
0x86: {  	s2 =	sor.u32 s8, s2;
	s8 =	sand.u32 $0x380, s20;
	[tilespmem:s18+$0x14020] =	vst v1;
	v0 =	vadd.f32 v3, v0;
	v1 =	vld [tilespmem:s18+$0x4060]  }
0x87: {  	s2 =	sor.u32 s8, s2;
	v3 =	vld [tilespmem:s18+$0xC060]  }
0x88: {  	v7 =	vld [tilespmem:s2+$0x4070];
	[tilespmem:s18+$0x14030] =	vst v0;
	v0 =	vadd.f32 v6, v2  }
0x89: {  	v2 =	vld [tilespmem:s2+$0xC070]  }
0x8a: {  	v6 =	vld [tilespmem:s2+$0x4000];
	[tilespmem:s18+$0x14040] =	vst v0;
	v0 =	vadd.f32 v5, v4  }
0x8b: {  	v5 =	vld [tilespmem:s2+$0xC000]  }
0x8c: {  	v8 =	vld [tilespmem:s2+$0x4010];
	[tilespmem:s18+$0x14050] =	vst v0;
	v0 =	vadd.f32 v3, v1  }
0x8d: {  	v9 =	vld [tilespmem:s2+$0xC010]  }
.Ltmp1:
0x8e: {  	v1 =	vld [tilespmem:s2+$0x4020];
	v2 =	vadd.f32 v2, v7;
	[tilespmem:s18+$0x14060] =	vst v0;
	s18 =	smov.u32 s2;
	(pc) =	sbr.rel @p2 .LBB2_5-.Ltmp1, $4  }
0x8f: {  	v4 =	vld [tilespmem:s18+$0xC020]  }
0x90: {  	v5 =	vadd.f32 v5, v6;
	v0 =	vld [tilespmem:s18+$0x4030];
	[tilespmem:s18+$0x14070] =	vst v2  }
0x91: {  	v3 =	vld [tilespmem:s18+$0xC030]  }
0x92: {  	[tilespmem:s18+$0x14000] =	vst v5;
	v5 =	vadd.f32 v9, v8;
	v2 =	vld [tilespmem:s18+$0x4040]  }
0x93: {  	v6 =	vld [tilespmem:s18+$0xC040]  }
0x94: {  	v7 =	vld [tilespmem:s18+$0x4050]  }
0x95: {  	v8 =	vld [tilespmem:s18+$0xC050]  }
0x96: {  	v9 =	vld [tilespmem:s18+$0x4060]  }
0x97: {  	v10 =	vld [tilespmem:s18+$0xC060]  }
0x98: {  	v1 =	vadd.f32 v4, v1  }
0x99: {  	[tilespmem:s18+$0x14010] =	vst v5;
	v0 =	vadd.f32 v3, v0  }
0x9a: {  	[tilespmem:s18+$0x14020] =	vst v1;
	v61 =	vadd.f32 v6, v2  }
0x9b: {  	[tilespmem:s18+$0x14030] =	vst v0;
	v62 =	vadd.f32 v8, v7  }
0x9c: {  	s2 =	sadd.s32 s9, s14;
	v63 =	vadd.f32 v10, v9;
	[tilespmem:s18+$0x14040] =	vst v61  }
0x9d: {  	s2 =	sshrl.u32 s2, $0x3;
	[tilespmem:s18+$0x14050] =	vst v62  }
0x9e: {  	s2 =	sadd.s32 s3, s2;
	[tilespmem:s18+$0x14060] =	vst v63  }
0x9f: {  	[hbm4b:s2+s5] =	stream.linear.scatter [tilespmem:s31], [sflag:$0x6], $0x4000, $0x38;
	[tilespmem:$0x1C000] =	vst v63  }
0xa0: {  	s2 =	sadd.s32 @!p1 s14, s17  }
0xa1: {  	s8 =	simm.s32 @!p1 $0x0;
	s2 =	sshrl.u32 @!p1 s2, $0x3  }
0xa2: {  	s11 =	simm.s32 @!p1 $0x4000;
	p2 =	sne.s32 @!p1 s10, $0x20;
	s2 =	sadd.s32 @!p1 s1, s2  }
0xa3: {  	[tilespmem:s11], [sflag:$0x2] =	stream.linear.gather @!p1 [hbm4b:s2+s8], $0x4000, $0x38;
	[tilespmem:$0x1C000] =	vst v63  }
0xa4: {  	p1 =	por p1, !p2  }
.Ltmp2:
0xa5: {  	_ = 	snop;
	(pc) =	sbr.rel @!p1 .LBB2_2-.Ltmp2, $2  }
0xa6: {  	_ =	sdelay $0x2  }
0xa7: {  	s14 =	smov.u32 s10  }
0xa8: {  	s2 =	simm.s32 $0x5  }
0xa9: {  	_ =	swait.ge [sflag:s2], $0x4000  }
0xaa: {  	[sflag:s2] =	ssyncset.done $0x0  }
0xab: {  	s8 =	simm.s32 $0x6;
	[sflag:s2] =	ssyncadd.s32 $0xFFFFC000  }
0xac: {  	_ =	swait.ge [sflag:s8], $0x4000  }
0xad: {  	s10 =	rddreg [dreg:$0xc]  }
0xae: {  	s22 =	rddreg [dreg:$0x9];
	s10 =	sadd.s32 $0x1, s10  }
0xaf: {  	p1 =	sne.s32 s10, s22  }
.Ltmp3:
0xb0: {  	_ = 	snop;
	(pc) =	sbr.rel @p1 .LBB2_1-.Ltmp3, $3  }
0xb1: {  	_ =	sdelay $0x1  }
0xb2: {  	[sflag:s8] =	ssyncset.done $0x0  }
0xb3: {  	[sflag:s8] =	ssyncadd.s32 $0xFFFFC000  }
0xb4: {  	_ =	sfence.sel $0x180000  }
0xb5: {  	[bflag:$0x0] =	sbarrier.arrive $0xFFFF  }
0xb6: {  	_ =	strace $0x90000047  }
0xb7: {  	[bflag:$0x2] =	sbarrier.arrive $0xFFFF  }
0xb8: {  	p0 =	sne.s32 s0, $0x0;
	s0 =	rddreg [dreg:$0x4]  }
0xb9: {  	s0 =	sadd.s32 @!p0 $0x100000, s0  }
0xba: {  	[sflag:s0] =	ssyncadd.tile.s32 @!p0 $0x1;
	_ =	shalt  }
.Lfunc_end2:
_tile_overlayer_lowered:
.L_overlay_start_2:
0xbb: {  	(tag) =	ssettag $0x2  }
0xbc: {  	s0 =	rddreg [dreg:$0x0];
	s2 =	stileid.u32  }
0xbd: {  	s1 =	rddreg [dreg:$0x1];
	p0 =	sne.s32 s2, $0x0  }
0xbe: {  	s3 =	rddreg [dreg:$0x2];
	[bflag:$0x3] =	sbarrier.arrive $0xFFFF;
	s2 =	simm.s32 @!p0 $0x1C09  }
0xbf: {  	[timem:s3], [sflag:s2] =	dma.local @!p0 [hbm:s0], s1  }
0xc0: {  	s0 =	simm.s32 @!p0 $0x9  }
0xc1: {  	_ =	swait.ge @!p0 [sflag:s0], s1  }
0xc2: {  	s1 =	ssub.s32 @!p0 $0x0, s1;
	[sflag:s0] =	ssyncset.done @!p0 $0x0  }
0xc3: {  	[sflag:s0] =	ssyncadd.s32 @!p0 s1  }
0xc4: {  	[bflag:$0x3] =	sbarrier.arrive $0xFFFF  }
0xc5: {  	_ =	shalt  }

</sc_bundles>
